<compile_context>
chip_gen: v7x
topology: tpu7x:2x2x1
jax: 0.10.2.dev20260603
libtpu: 0.0.44.dev20260713+nightly
codegen_flags: <defaults>
</compile_context>

<pallas_src>
import functools

import jax
import jax.numpy as jnp
from jax import lax
from jax.experimental import pallas as pl
from jax.experimental.pallas import tpu as pltpu
from jax.experimental.pallas import tpu_sc as plsc

N = 100000
CIN = 16
COUT = 16
K3 = 27
KP = 32
EPS = 1e-3

NC = 2
NS = 16
NW = NC * NS
H = 2
RPW = 1568
PART = NW * RPW
NPAD = H * PART
CHUNK = 112
NCH = RPW // CHUNK
NFULL = NCH - 1
CROWS = CHUNK * K3


def _sc_gather(vox32, cpart, feats):
    mesh = plsc.VectorSubcoreMesh(core_axis_name="c", subcore_axis_name="s")

    @functools.partial(
        pl.kernel,
        mesh=mesh,
        compiler_params=pltpu.CompilerParams(use_tc_tiling_on_sc=False,
                                             needs_layout_passes=False),
        out_type=[
            jax.ShapeDtypeStruct((PART * K3,), jnp.int32),
            jax.ShapeDtypeStruct((PART * K3, CIN), jnp.bfloat16),
        ],
        scratch_types=[
            pltpu.VMEM((RPW,), jnp.int32),
            pltpu.VMEM((CHUNK, KP), jnp.int32),
            pltpu.VMEM((CROWS + 16,), jnp.int32),
            pltpu.VMEM((CROWS + 16,), jnp.int32),
            pltpu.VMEM((CROWS, CIN), jnp.bfloat16),
            pltpu.VMEM((CROWS, CIN), jnp.bfloat16),
            pltpu.SemaphoreType.DMA,
            pltpu.SemaphoreType.DMA,
            pltpu.SemaphoreType.DMA,
            pltpu.SemaphoreType.DMA,
            pltpu.SemaphoreType.DMA,
            pltpu.SemaphoreType.DMA,
            pltpu.SemaphoreType.DMA,
        ],
    )
    def k(vox_hbm, cidx_hbm, feat_hbm, vidx_out, gf_out,
          cidx_v, vrows_v, idx0, idx1, f0, f1,
          sem_v, sem_g0, sem_g1, sem_i0, sem_i1, sem_w0, sem_w1):
        wid = lax.axis_index("s") * NC + lax.axis_index("c")
        wbase = wid * RPW
        idx_b = (idx0, idx1)
        f_b = (f0, f1)
        sem_g = (sem_g0, sem_g1)
        sem_i = (sem_i0, sem_i1)
        sem_w = (sem_w0, sem_w1)
        lanes = lax.iota(jnp.int32, 16)
        himask = lanes < (K3 - 16)

        pltpu.sync_copy(cidx_hbm.at[pl.ds(wbase, RPW)], cidx_v)

        def out_base(i):
            return (wbase + i * CHUNK) * K3

        def prep(i, b):
            pltpu.async_copy(
                vox_hbm.at[cidx_v.at[pl.ds(i * CHUNK, CHUNK)]],
                vrows_v, sem_v).wait()
            idx = idx_b[b]

            def flatten(j, c2):
                lo = vrows_v[j, pl.ds(0, 16)]
                hi = vrows_v[j, pl.ds(16, 16)]
                idx[pl.ds(j * K3, 16)] = lo
                plsc.store_scatter(idx, [j * K3 + 16 + lanes], hi,
                                   mask=himask)
                return c2

            lax.fori_loop(0, CHUNK, flatten, 0, unroll=4)
            pltpu.async_copy(idx.at[pl.ds(0, CROWS)],
                             vidx_out.at[pl.ds(out_base(i), CROWS)],
                             sem_i[b])

        def fire_gather(b):
            pltpu.async_copy(feat_hbm.at[idx_b[b].at[pl.ds(0, CROWS)]],
                             f_b[b], sem_g[b])

        def drain_g(b):
            pltpu.make_async_copy(f_b[b], gf_out.at[pl.ds(0, CROWS)],
                                  sem_g[b]).wait()

        def drain_w(b):
            pltpu.make_async_copy(f_b[b], gf_out.at[pl.ds(0, CROWS)],
                                  sem_w[b]).wait()

        def drain_i(b):
            pltpu.make_async_copy(idx_b[b].at[pl.ds(0, CROWS)],
                                  vidx_out.at[pl.ds(0, CROWS)],
                                  sem_i[b]).wait()

        def fire_write(i, b):
            pltpu.async_copy(f_b[b], gf_out.at[pl.ds(out_base(i), CROWS)],
                             sem_w[b])

        prep(0, 0)
        fire_gather(0)

        def half(p, i, b, guarded):
            if guarded:
                @pl.when(p >= 1)
                def _():
                    drain_i(b)
            else:
                drain_i(b)
            prep(i, b)
            drain_g(1 - b)
            fire_write(i - 1, 1 - b)
            if guarded:
                @pl.when(p >= 1)
                def _():
                    drain_w(b)
            else:
                drain_w(b)
            fire_gather(b)

        def body(p, c):
            i1 = 1 + 2 * p
            half(p, i1, 1, guarded=True)
            half(p, i1 + 1, 0, guarded=False)
            return c

        lax.fori_loop(0, (NFULL - 1) // 2, body, 0)

        tail = NCH - 1
        drain_i(1)
        prep(tail, 1)
        drain_g(0)
        fire_write(tail - 1, 0)
        drain_w(1)
        fire_gather(1)
        drain_g(1)
        fire_write(tail, 1)
        drain_w(0)
        drain_w(1)
        drain_i(0)
        drain_i(1)

    return k(vox32, cpart, feats)


def _tc_body(gf_ref, w2_ref, lnw_ref, lnb_ref, out_ref):
    vf = gf_ref[...]
    o = jnp.dot(vf, w2_ref[...], preferred_element_type=jnp.float32)
    j = jnp.full((COUT, COUT), 1.0 / COUT, dtype=jnp.float32)
    m = jnp.dot(o, j, preferred_element_type=jnp.float32)
    d = o - m
    v = jnp.dot(d * d, j, preferred_element_type=jnp.float32)
    y = d * lax.rsqrt(v + EPS) * lnw_ref[...] + lnb_ref[...]
    out_ref[...] = jnp.maximum(y, 0.0)


def _tc_mlp(gf2d, w2, lnw, lnb):
    nblk = NW
    bn = PART // nblk
    return pl.pallas_call(
        _tc_body,
        grid=(nblk,),
        in_specs=[
            pl.BlockSpec((bn, K3 * CIN), lambda i: (i, 0)),
            pl.BlockSpec((K3 * CIN, COUT), lambda i: (0, 0)),
            pl.BlockSpec((1, COUT), lambda i: (0, 0)),
            pl.BlockSpec((1, COUT), lambda i: (0, 0)),
        ],
        out_specs=pl.BlockSpec((bn, COUT), lambda i: (i, 0)),
        out_shape=jax.ShapeDtypeStruct((PART, COUT), jnp.float32),
    )(gf2d, w2, lnw, lnb)


def kernel(input_coors, input_features, input_num_list, voxel_idx, center_idx,
           mem_saving, W, ln_weight, ln_bias):
    vox32 = jnp.concatenate(
        [voxel_idx, jnp.zeros((N, KP - K3), jnp.int32)], axis=1)
    cpad = jnp.concatenate(
        [center_idx, jnp.zeros((NPAD - N,), jnp.int32)], axis=0)
    fb = input_features.astype(jnp.bfloat16)
    w2 = W.T.astype(jnp.bfloat16)
    lnw = ln_weight.reshape(1, COUT)
    lnb = ln_bias.reshape(1, COUT)

    vparts = []
    oparts = []
    for h in range(H):
        vidx_flat, gf = _sc_gather(
            vox32, lax.slice(cpad, (h * PART,), ((h + 1) * PART,)), fb)
        vparts.append(vidx_flat.reshape(PART, K3))
        oparts.append(_tc_mlp(gf.reshape(PART, K3 * CIN), w2, lnw, lnb))

    out = jnp.concatenate(oparts, axis=0)
    vidx = jnp.concatenate(vparts, axis=0)
    return (input_coors, out[:N], input_num_list.astype(jnp.int32),
            vidx[:N], center_idx)

# --- scband reference (transcript-rebuilt; emitter-appended) ---
"""Pipeline reference for scband-dynamic-point-conv-basic-block-71184787964123 (READ-ONLY COPY).

The authoritative reference and input builder live on the scoring server;
editing this copy changes nothing except your own understanding.
"""

import jax, jax.numpy as jnp
import numpy as np

N = 100000
CIN = 16
COUT = 16
KS = 3
K3 = KS ** 3
B = 448
EPS = 1e-3
PADDING = 0.0


def layernorm(x, w, b, eps=EPS):
    m = jnp.mean(x, axis=-1, keepdims=True)
    v = jnp.mean((x - m) ** 2, axis=-1, keepdims=True)
    return (x - m) / jnp.sqrt(v + eps) * w + b


def setup_inputs(seed: int = 0) -> dict:
    key = jax.random.key(seed)
    ks = jax.random.split(key, 6)
    input_coors = jax.random.normal(ks[0], (N, 3), dtype=jnp.float32) * 10.0
    input_features = jax.random.normal(ks[1], (N, CIN), dtype=jnp.float32)
    # arange fill: cumsum of arange(448) = 100128 >= N, so batch slicing covers all rows
    input_num_list = jnp.arange(B, dtype=jnp.int32)
    voxel_idx = jax.random.randint(ks[2], (N, K3), 0, N).astype(jnp.int32)
    center_idx = jax.random.randint(ks[3], (N,), 0, N).astype(jnp.int32)
    # feature_transformation_layer: nn.Linear(27*16, 16, bias=False), init normal std=1e-4
    W = jax.random.normal(ks[4], (COUT, K3 * CIN), dtype=jnp.float32) * 1e-4
    ln_weight = jnp.ones((COUT,), dtype=jnp.float32)
    ln_bias = jnp.zeros((COUT,), dtype=jnp.float32)
    return {
        "input_coors": input_coors,
        "input_features": input_features,
        "input_num_list": input_num_list,
        "voxel_idx": voxel_idx,
        "center_idx": center_idx,
        "mem_saving": False,
        "W": W,
        "ln_weight": ln_weight,
        "ln_bias": ln_bias,
    }


def reference(input_coors, input_features, input_num_list, voxel_idx, center_idx, mem_saving, W, ln_weight, ln_bias):
    # subsample_res is None -> centers are the input points, center_idx passed through
    kernel_center_coors = input_coors
    center_num_list = input_num_list.astype(jnp.int32)
    # kernel_res is None -> voxel_idx = voxel_idx[center_idx]
    v_idx = jnp.take(voxel_idx, center_idx, axis=0)  # [M, 27]
    # VoxelSamplingFeatureFunction: gather features at v_idx, padding value where idx < 0
    safe_idx = jnp.clip(v_idx, 0, input_features.shape[0] - 1)
    gathered = jnp.take(input_features, safe_idx, axis=0)  # [M, 27, CIN]
    mask = (v_idx >= 0)[..., None]
    voxel_features = jnp.where(mask, gathered, jnp.float32(PADDING))
    vf = voxel_features.reshape(-1, K3 * CIN)
    out = vf @ W.T  # [M, COUT]
    # per-batch-segment LayerNorm; LN normalizes each row independently, so the
    # torch loop over cumsum slices equals rowwise LN on rows [0:min(cumsum[-1], M)]
    # input_num_list is always arange(B): cumsum[-1] = B*(B-1)/2 = 100128 >= M = N,
    # so min(cumsum[-1], M) = M, a static bound derived from out's shape
    total = out.shape[0]
    normed = layernorm(out, ln_weight, ln_bias)[:total]
    output_features = jax.nn.relu(normed)
    return (kernel_center_coors, output_features, center_num_list, v_idx, center_idx)

if __name__ == "__main__":
    import jax
    _d = setup_inputs()
    print(jax.jit(kernel)(*tuple(_d.values())))

</pallas_src>

<mosaic_0001>
#map = affine_map<(d0, d1) -> (0, 0)>
#map1 = affine_map<(d0, d1) -> (0)>
module attributes {stable_mosaic.version = 14 : i64} {
  func.func @k(%arg0: i32, %arg1: i32, %arg2: memref<100000x32xi32, #tpu.memory_space<hbm>>, %arg3: memref<50176xi32, #tpu.memory_space<hbm>>, %arg4: memref<100000x16xbf16, #tpu.memory_space<hbm>>, %arg5: memref<1354752xi32, #tpu.memory_space<hbm>>, %arg6: memref<1354752x16xbf16, #tpu.memory_space<hbm>>, %arg7: memref<1568xi32, #tpu.memory_space<vmem>>, %arg8: memref<112x32xi32, #tpu.memory_space<vmem>>, %arg9: memref<3040xi32, #tpu.memory_space<vmem>>, %arg10: memref<3040xi32, #tpu.memory_space<vmem>>, %arg11: memref<3024x16xbf16, #tpu.memory_space<vmem>>, %arg12: memref<3024x16xbf16, #tpu.memory_space<vmem>>, %arg13: memref<!tpu.dma_semaphore, #tpu.memory_space<semaphore_mem>>, %arg14: memref<!tpu.dma_semaphore, #tpu.memory_space<semaphore_mem>>, %arg15: memref<!tpu.dma_semaphore, #tpu.memory_space<semaphore_mem>>, %arg16: memref<!tpu.dma_semaphore, #tpu.memory_space<semaphore_mem>>, %arg17: memref<!tpu.dma_semaphore, #tpu.memory_space<semaphore_mem>>, %arg18: memref<!tpu.dma_semaphore, #tpu.memory_space<semaphore_mem>>, %arg19: memref<!tpu.dma_semaphore, #tpu.memory_space<semaphore_mem>>) attributes {dimension_semantics = [#tpu.dimension_semantics<core_parallel>, #tpu.dimension_semantics<subcore_parallel>], iteration_bounds = array<i64: 2, 16>, scalar_prefetch = 0 : i64, scratch_operands = 13 : i64, tpu.core_type = #tpu.core_type<sc_vector_subcore>, window_params = [{transform_indices = #map}, {transform_indices = #map1}, {transform_indices = #map}, {transform_indices = #map1}, {transform_indices = #map}]} {
    %mul3A = arith.constant 2 : i32
    %mul3A_0 = arith.muli %arg1, %mul3A : i32
    %add3A = arith.addi %mul3A_0, %arg0 : i32
    %mul3A_1 = arith.constant 1568 : i32
    %mul3A_2 = arith.muli %add3A, %mul3A_1 : i32
    %iota3A = tpu.iota {dimensions = array<i32: 0>} : vector<16xi32>
    %lt3A = arith.constant 11 : i32
    %lt3A_3 = vector.broadcast %lt3A : i32 to vector<16xi32>
    %lt3A_4 = arith.cmpi slt, %iota3A, %lt3A_3 : vector<16xi32>
    "tpu.region"() ({
      %run_scoped3A = tpu.sem_alloc : memref<!tpu.dma_semaphore, #tpu.memory_space<semaphore_mem>>
      %dma_start3A_140 = tpu.memref_slice %arg3[%mul3A_2] : memref<50176xi32, #tpu.memory_space<hbm>> -> memref<1568xi32, #tpu.memory_space<hbm>>
      %dma_start3A_141 = tpu.memref_slice %arg3[%mul3A_2] : memref<50176xi32, #tpu.memory_space<hbm>> -> memref<1568xi32, #tpu.memory_space<hbm>>
      tpu.enqueue_dma source(%dma_start3A_141 : memref<1568xi32, #tpu.memory_space<hbm>>) target(%arg7 : memref<1568xi32, #tpu.memory_space<vmem>>) target_semaphore(%run_scoped3A : memref<!tpu.dma_semaphore, #tpu.memory_space<semaphore_mem>>)
      %dma_wait3A_142 = tpu.memref_slice %arg3[%mul3A_2] : memref<50176xi32, #tpu.memory_space<hbm>> -> memref<1568xi32, #tpu.memory_space<hbm>>
      %dma_wait3A_143 = tpu.memref_slice %arg3[%mul3A_2] : memref<50176xi32, #tpu.memory_space<hbm>> -> memref<1568xi32, #tpu.memory_space<hbm>>
      tpu.wait_dma2 semaphore(%run_scoped3A : memref<!tpu.dma_semaphore, #tpu.memory_space<semaphore_mem>>) src(%dma_wait3A_143 : memref<1568xi32, #tpu.memory_space<hbm>>) dst(%arg7 : memref<1568xi32, #tpu.memory_space<vmem>>)
      tpu.yield
    }) : () -> ()
    %dma_start3A = arith.constant 0 : i32
    %dma_start3A_5 = tpu.memref_slice %arg7[%dma_start3A] : memref<1568xi32, #tpu.memory_space<vmem>> -> memref<112xi32, #tpu.memory_space<vmem>>
    %dma_start3A_6 = arith.constant 0 : i32
    %dma_start3A_7 = arith.constant 0 : i32
    %dma_start3A_8 = tpu.memref_slice %arg2[%dma_start3A_6, %dma_start3A_7] : memref<100000x32xi32, #tpu.memory_space<hbm>> -> memref<100000x32xi32, #tpu.memory_space<hbm>>
    tpu.enqueue_indirect_dma source(%dma_start3A_8 : memref<100000x32xi32, #tpu.memory_space<hbm>>) target(%arg8 : memref<112x32xi32, #tpu.memory_space<vmem>>) offsets(%dma_start3A_5 : memref<112xi32, #tpu.memory_space<vmem>>) semaphore(%arg13 : memref<!tpu.dma_semaphore, #tpu.memory_space<semaphore_mem>>)
    %dma_wait3A = arith.constant 0 : i32
    %dma_wait3A_9 = tpu.memref_slice %arg7[%dma_wait3A] : memref<1568xi32, #tpu.memory_space<vmem>> -> memref<112xi32, #tpu.memory_space<vmem>>
    %dma_wait3A_10 = arith.constant 0 : i32
    %dma_wait3A_11 = arith.constant 0 : i32
    %dma_wait3A_12 = tpu.memref_slice %arg2[%dma_wait3A_10, %dma_wait3A_11] : memref<100000x32xi32, #tpu.memory_space<hbm>> -> memref<100000x32xi32, #tpu.memory_space<hbm>>
    tpu.wait_indirect_dma semaphore(%arg13 : memref<!tpu.dma_semaphore, #tpu.memory_space<semaphore_mem>>) src(%dma_wait3A_12 : memref<100000x32xi32, #tpu.memory_space<hbm>>) dst(%arg8 : memref<112x32xi32, #tpu.memory_space<vmem>>)
    %scan3A = arith.constant 0 : i32
    %scan3A_13 = arith.constant 0 : i32
    %scan3A_14 = arith.constant 112 : i32
    %scan3A_15 = arith.addi %scan3A_13, %scan3A_14 : i32
    %scan3A_16 = arith.constant 4 : i32
    scf.for %scan3A_140 = %scan3A_13 to %scan3A_15 step %scan3A_16  : i32 {
      %get3A = arith.index_cast %scan3A_140 : i32 to index
      %get3A_141 = arith.constant 0 : index
      %get3A_142 = tpu.vector_load %arg8[%get3A, %get3A_141] {strides = array<i32>} : memref<112x32xi32, #tpu.memory_space<vmem>>, vector<16xi32>,
      %get3A_143 = arith.index_cast %scan3A_140 : i32 to index
      %get3A_144 = arith.constant 16 : index
      %get3A_145 = tpu.vector_load %arg8[%get3A_143, %get3A_144] {strides = array<i32>} : memref<112x32xi32, #tpu.memory_space<vmem>>, vector<16xi32>,
      %mul3A_146 = arith.constant 27 : i32
      %mul3A_147 = arith.muli %scan3A_140, %mul3A_146 : i32
      %swap3A = arith.index_cast %mul3A_147 : i32 to index
      %swap3A_148 = tpu.vector_load %arg9[%swap3A] {strides = array<i32>} : memref<3040xi32, #tpu.memory_space<vmem>>, vector<16xi32>,
      tpu.vector_store %arg9[%swap3A], %get3A_142 {strides = array<i32>} : memref<3040xi32, #tpu.memory_space<vmem>>, vector<16xi32>,
      %mul3A_149 = arith.constant 27 : i32
      %mul3A_150 = arith.muli %scan3A_140, %mul3A_149 : i32
      %add3A_151 = arith.constant 16 : i32
      %add3A_152 = arith.addi %mul3A_150, %add3A_151 : i32
      %add3A_153 = vector.broadcast %add3A_152 : i32 to vector<16xi32>
      %add3A_154 = arith.addi %add3A_153, %iota3A : vector<16xi32>
      tpu.vector_store_idx %arg9[%add3A_154], %get3A_145 masked %lt3A_4 : memref<3040xi32, #tpu.memory_space<vmem>>[vector<16xi32>], vector<16xi32>, vector<16xi1>
      %scan3A_155 = arith.constant 1 : i32
      %scan3A_156 = arith.addi %scan3A_140, %scan3A_155 : i32
      %get3A_157 = arith.index_cast %scan3A_156 : i32 to index
      %get3A_158 = arith.constant 0 : index
      %get3A_159 = tpu.vector_load %arg8[%get3A_157, %get3A_158] {strides = array<i32>} : memref<112x32xi32, #tpu.memory_space<vmem>>, vector<16xi32>,
      %get3A_160 = arith.index_cast %scan3A_156 : i32 to index
      %get3A_161 = arith.constant 16 : index
      %get3A_162 = tpu.vector_load %arg8[%get3A_160, %get3A_161] {strides = array<i32>} : memref<112x32xi32, #tpu.memory_space<vmem>>, vector<16xi32>,
      %mul3A_163 = arith.constant 27 : i32
      %mul3A_164 = arith.muli %scan3A_156, %mul3A_163 : i32
      %swap3A_165 = arith.index_cast %mul3A_164 : i32 to index
      %swap3A_166 = tpu.vector_load %arg9[%swap3A_165] {strides = array<i32>} : memref<3040xi32, #tpu.memory_space<vmem>>, vector<16xi32>,
      tpu.vector_store %arg9[%swap3A_165], %get3A_159 {strides = array<i32>} : memref<3040xi32, #tpu.memory_space<vmem>>, vector<16xi32>,
      %mul3A_167 = arith.constant 27 : i32
      %mul3A_168 = arith.muli %scan3A_156, %mul3A_167 : i32
      %add3A_169 = arith.constant 16 : i32
      %add3A_170 = arith.addi %mul3A_168, %add3A_169 : i32
      %add3A_171 = vector.broadcast %add3A_170 : i32 to vector<16xi32>
      %add3A_172 = arith.addi %add3A_171, %iota3A : vector<16xi32>
      tpu.vector_store_idx %arg9[%add3A_172], %get3A_162 masked %lt3A_4 : memref<3040xi32, #tpu.memory_space<vmem>>[vector<16xi32>], vector<16xi32>, vector<16xi1>
      %scan3A_173 = arith.constant 2 : i32
      %scan3A_174 = arith.addi %scan3A_140, %scan3A_173 : i32
      %get3A_175 = arith.index_cast %scan3A_174 : i32 to index
      %get3A_176 = arith.constant 0 : index
      %get3A_177 = tpu.vector_load %arg8[%get3A_175, %get3A_176] {strides = array<i32>} : memref<112x32xi32, #tpu.memory_space<vmem>>, vector<16xi32>,
      %get3A_178 = arith.index_cast %scan3A_174 : i32 to index
      %get3A_179 = arith.constant 16 : index
      %get3A_180 = tpu.vector_load %arg8[%get3A_178, %get3A_179] {strides = array<i32>} : memref<112x32xi32, #tpu.memory_space<vmem>>, vector<16xi32>,
      %mul3A_181 = arith.constant 27 : i32
      %mul3A_182 = arith.muli %scan3A_174, %mul3A_181 : i32
      %swap3A_183 = arith.index_cast %mul3A_182 : i32 to index
      %swap3A_184 = tpu.vector_load %arg9[%swap3A_183] {strides = array<i32>} : memref<3040xi32, #tpu.memory_space<vmem>>, vector<16xi32>,
      tpu.vector_store %arg9[%swap3A_183], %get3A_177 {strides = array<i32>} : memref<3040xi32, #tpu.memory_space<vmem>>, vector<16xi32>,
      %mul3A_185 = arith.constant 27 : i32
      %mul3A_186 = arith.muli %scan3A_174, %mul3A_185 : i32
      %add3A_187 = arith.constant 16 : i32
      %add3A_188 = arith.addi %mul3A_186, %add3A_187 : i32
      %add3A_189 = vector.broadcast %add3A_188 : i32 to vector<16xi32>
      %add3A_190 = arith.addi %add3A_189, %iota3A : vector<16xi32>
      tpu.vector_store_idx %arg9[%add3A_190], %get3A_180 masked %lt3A_4 : memref<3040xi32, #tpu.memory_space<vmem>>[vector<16xi32>], vector<16xi32>, vector<16xi1>
      %scan3A_191 = arith.constant 3 : i32
      %scan3A_192 = arith.addi %scan3A_140, %scan3A_191 : i32
      %get3A_193 = arith.index_cast %scan3A_192 : i32 to index
      %get3A_194 = arith.constant 0 : index
      %get3A_195 = tpu.vector_load %arg8[%get3A_193, %get3A_194] {strides = array<i32>} : memref<112x32xi32, #tpu.memory_space<vmem>>, vector<16xi32>,
      %get3A_196 = arith.index_cast %scan3A_192 : i32 to index
      %get3A_197 = arith.constant 16 : index
      %get3A_198 = tpu.vector_load %arg8[%get3A_196, %get3A_197] {strides = array<i32>} : memref<112x32xi32, #tpu.memory_space<vmem>>, vector<16xi32>,
      %mul3A_199 = arith.constant 27 : i32
      %mul3A_200 = arith.muli %scan3A_192, %mul3A_199 : i32
      %swap3A_201 = arith.index_cast %mul3A_200 : i32 to index
      %swap3A_202 = tpu.vector_load %arg9[%swap3A_201] {strides = array<i32>} : memref<3040xi32, #tpu.memory_space<vmem>>, vector<16xi32>,
      tpu.vector_store %arg9[%swap3A_201], %get3A_195 {strides = array<i32>} : memref<3040xi32, #tpu.memory_space<vmem>>, vector<16xi32>,
      %mul3A_203 = arith.constant 27 : i32
      %mul3A_204 = arith.muli %scan3A_192, %mul3A_203 : i32
      %add3A_205 = arith.constant 16 : i32
      %add3A_206 = arith.addi %mul3A_204, %add3A_205 : i32
      %add3A_207 = vector.broadcast %add3A_206 : i32 to vector<16xi32>
      %add3A_208 = arith.addi %add3A_207, %iota3A : vector<16xi32>
      tpu.vector_store_idx %arg9[%add3A_208], %get3A_198 masked %lt3A_4 : memref<3040xi32, #tpu.memory_space<vmem>>[vector<16xi32>], vector<16xi32>, vector<16xi1>
    }
    %scan3A_17 = arith.constant 112 : i32
    %add3A_18 = arith.constant 0 : i32
    %add3A_19 = arith.addi %mul3A_2, %add3A_18 : i32
    %mul3A_20 = arith.constant 27 : i32
    %mul3A_21 = arith.muli %add3A_19, %mul3A_20 : i32
    %dma_start3A_22 = arith.constant 0 : i32
    %dma_start3A_23 = tpu.memref_slice %arg9[%dma_start3A_22] : memref<3040xi32, #tpu.memory_space<vmem>> -> memref<3024xi32, #tpu.memory_space<vmem>>
    %dma_start3A_24 = tpu.memref_slice %arg5[%mul3A_21] : memref<1354752xi32, #tpu.memory_space<hbm>> -> memref<3024xi32, #tpu.memory_space<hbm>>
    %dma_start3A_25 = tpu.memref_slice %arg5[%mul3A_21] : memref<1354752xi32, #tpu.memory_space<hbm>> -> memref<3024xi32, #tpu.memory_space<hbm>>
    %dma_start3A_26 = arith.constant 0 : i32
    %dma_start3A_27 = tpu.memref_slice %arg9[%dma_start3A_26] : memref<3040xi32, #tpu.memory_space<vmem>> -> memref<3024xi32, #tpu.memory_space<vmem>>
    tpu.enqueue_dma source(%dma_start3A_27 : memref<3024xi32, #tpu.memory_space<vmem>>) target(%dma_start3A_25 : memref<3024xi32, #tpu.memory_space<hbm>>) target_semaphore(%arg16 : memref<!tpu.dma_semaphore, #tpu.memory_space<semaphore_mem>>)
    %dma_start3A_28 = arith.constant 0 : i32
    %dma_start3A_29 = tpu.memref_slice %arg9[%dma_start3A_28] : memref<3040xi32, #tpu.memory_space<vmem>> -> memref<3024xi32, #tpu.memory_space<vmem>>
    %dma_start3A_30 = arith.constant 0 : i32
    %dma_start3A_31 = arith.constant 0 : i32
    %dma_start3A_32 = tpu.memref_slice %arg4[%dma_start3A_30, %dma_start3A_31] : memref<100000x16xbf16, #tpu.memory_space<hbm>> -> memref<100000x16xbf16, #tpu.memory_space<hbm>>
    tpu.enqueue_indirect_dma source(%dma_start3A_32 : memref<100000x16xbf16, #tpu.memory_space<hbm>>) target(%arg11 : memref<3024x16xbf16, #tpu.memory_space<vmem>>) offsets(%dma_start3A_29 : memref<3024xi32, #tpu.memory_space<vmem>>) semaphore(%arg14 : memref<!tpu.dma_semaphore, #tpu.memory_space<semaphore_mem>>)
    %scan3A_33 = arith.constant 0 : i32
    %scan3A_34 = arith.constant 0 : i32
    %scan3A_35 = arith.constant 6 : i32
    %scan3A_36 = arith.addi %scan3A_34, %scan3A_35 : i32
    %scan3A_37 = arith.constant 1 : i32
    scf.for %scan3A_140 = %scan3A_34 to %scan3A_36 step %scan3A_37  : i32 {
      %mul3A_141 = arith.constant 2 : i32
      %mul3A_142 = arith.muli %mul3A_141, %scan3A_140 : i32
      %add3A_143 = arith.constant 1 : i32
      %add3A_144 = arith.addi %add3A_143, %mul3A_142 : i32
      %ge3A = arith.constant 1 : i32
      %ge3A_145 = arith.cmpi sge, %scan3A_140, %ge3A : i32
      %convert_element_type3A = arith.extui %ge3A_145 : i1 to i32
      %cond3A = arith.constant 0 : i32
      %cond3A_146 = arith.cmpi ne, %convert_element_type3A, %cond3A : i32
      scf.if %cond3A_146 {
        %dma_wait3A_265 = arith.constant 0 : i32
        %dma_wait3A_266 = tpu.memref_slice %arg10[%dma_wait3A_265] : memref<3040xi32, #tpu.memory_space<vmem>> -> memref<3024xi32, #tpu.memory_space<vmem>>
        %dma_wait3A_267 = arith.constant 0 : i32
        %dma_wait3A_268 = tpu.memref_slice %arg5[%dma_wait3A_267] : memref<1354752xi32, #tpu.memory_space<hbm>> -> memref<3024xi32, #tpu.memory_space<hbm>>
        %dma_wait3A_269 = arith.constant 0 : i32
        %dma_wait3A_270 = tpu.memref_slice %arg5[%dma_wait3A_269] : memref<1354752xi32, #tpu.memory_space<hbm>> -> memref<3024xi32, #tpu.memory_space<hbm>>
        %dma_wait3A_271 = arith.constant 0 : i32
        %dma_wait3A_272 = tpu.memref_slice %arg10[%dma_wait3A_271] : memref<3040xi32, #tpu.memory_space<vmem>> -> memref<3024xi32, #tpu.memory_space<vmem>>
        tpu.wait_dma2 semaphore(%arg17 : memref<!tpu.dma_semaphore, #tpu.memory_space<semaphore_mem>>) src(%dma_wait3A_272 : memref<3024xi32, #tpu.memory_space<vmem>>) dst(%dma_wait3A_270 : memref<3024xi32, #tpu.memory_space<hbm>>)
      } else {
      }
      %mul3A_147 = arith.constant 112 : i32
      %mul3A_148 = arith.muli %add3A_144, %mul3A_147 : i32
      %dma_start3A_149 = tpu.memref_slice %arg7[%mul3A_148] : memref<1568xi32, #tpu.memory_space<vmem>> -> memref<112xi32, #tpu.memory_space<vmem>>
      %dma_start3A_150 = arith.constant 0 : i32
      %dma_start3A_151 = arith.constant 0 : i32
      %dma_start3A_152 = tpu.memref_slice %arg2[%dma_start3A_150, %dma_start3A_151] : memref<100000x32xi32, #tpu.memory_space<hbm>> -> memref<100000x32xi32, #tpu.memory_space<hbm>>
      tpu.enqueue_indirect_dma source(%dma_start3A_152 : memref<100000x32xi32, #tpu.memory_space<hbm>>) target(%arg8 : memref<112x32xi32, #tpu.memory_space<vmem>>) offsets(%dma_start3A_149 : memref<112xi32, #tpu.memory_space<vmem>>) semaphore(%arg13 : memref<!tpu.dma_semaphore, #tpu.memory_space<semaphore_mem>>)
      %dma_wait3A_153 = tpu.memref_slice %arg7[%mul3A_148] : memref<1568xi32, #tpu.memory_space<vmem>> -> memref<112xi32, #tpu.memory_space<vmem>>
      %dma_wait3A_154 = arith.constant 0 : i32
      %dma_wait3A_155 = arith.constant 0 : i32
      %dma_wait3A_156 = tpu.memref_slice %arg2[%dma_wait3A_154, %dma_wait3A_155] : memref<100000x32xi32, #tpu.memory_space<hbm>> -> memref<100000x32xi32, #tpu.memory_space<hbm>>
      tpu.wait_indirect_dma semaphore(%arg13 : memref<!tpu.dma_semaphore, #tpu.memory_space<semaphore_mem>>) src(%dma_wait3A_156 : memref<100000x32xi32, #tpu.memory_space<hbm>>) dst(%arg8 : memref<112x32xi32, #tpu.memory_space<vmem>>)
      %scan3A_157 = arith.constant 0 : i32
      %scan3A_158 = arith.constant 0 : i32
      %scan3A_159 = arith.constant 112 : i32
      %scan3A_160 = arith.addi %scan3A_158, %scan3A_159 : i32
      %scan3A_161 = arith.constant 4 : i32
      scf.for %scan3A_265 = %scan3A_158 to %scan3A_160 step %scan3A_161  : i32 {
        %get3A = arith.index_cast %scan3A_265 : i32 to index
        %get3A_266 = arith.constant 0 : index
        %get3A_267 = tpu.vector_load %arg8[%get3A, %get3A_266] {strides = array<i32>} : memref<112x32xi32, #tpu.memory_space<vmem>>, vector<16xi32>,
        %get3A_268 = arith.index_cast %scan3A_265 : i32 to index
        %get3A_269 = arith.constant 16 : index
        %get3A_270 = tpu.vector_load %arg8[%get3A_268, %get3A_269] {strides = array<i32>} : memref<112x32xi32, #tpu.memory_space<vmem>>, vector<16xi32>,
        %mul3A_271 = arith.constant 27 : i32
        %mul3A_272 = arith.muli %scan3A_265, %mul3A_271 : i32
        %swap3A = arith.index_cast %mul3A_272 : i32 to index
        %swap3A_273 = tpu.vector_load %arg10[%swap3A] {strides = array<i32>} : memref<3040xi32, #tpu.memory_space<vmem>>, vector<16xi32>,
        tpu.vector_store %arg10[%swap3A], %get3A_267 {strides = array<i32>} : memref<3040xi32, #tpu.memory_space<vmem>>, vector<16xi32>,
        %mul3A_274 = arith.constant 27 : i32
        %mul3A_275 = arith.muli %scan3A_265, %mul3A_274 : i32
        %add3A_276 = arith.constant 16 : i32
        %add3A_277 = arith.addi %mul3A_275, %add3A_276 : i32
        %add3A_278 = vector.broadcast %add3A_277 : i32 to vector<16xi32>
        %add3A_279 = arith.addi %add3A_278, %iota3A : vector<16xi32>
        tpu.vector_store_idx %arg10[%add3A_279], %get3A_270 masked %lt3A_4 : memref<3040xi32, #tpu.memory_space<vmem>>[vector<16xi32>], vector<16xi32>, vector<16xi1>
        %scan3A_280 = arith.constant 1 : i32
        %scan3A_281 = arith.addi %scan3A_265, %scan3A_280 : i32
        %get3A_282 = arith.index_cast %scan3A_281 : i32 to index
        %get3A_283 = arith.constant 0 : index
        %get3A_284 = tpu.vector_load %arg8[%get3A_282, %get3A_283] {strides = array<i32>} : memref<112x32xi32, #tpu.memory_space<vmem>>, vector<16xi32>,
        %get3A_285 = arith.index_cast %scan3A_281 : i32 to index
        %get3A_286 = arith.constant 16 : index
        %get3A_287 = tpu.vector_load %arg8[%get3A_285, %get3A_286] {strides = array<i32>} : memref<112x32xi32, #tpu.memory_space<vmem>>, vector<16xi32>,
        %mul3A_288 = arith.constant 27 : i32
        %mul3A_289 = arith.muli %scan3A_281, %mul3A_288 : i32
        %swap3A_290 = arith.index_cast %mul3A_289 : i32 to index
        %swap3A_291 = tpu.vector_load %arg10[%swap3A_290] {strides = array<i32>} : memref<3040xi32, #tpu.memory_space<vmem>>, vector<16xi32>,
        tpu.vector_store %arg10[%swap3A_290], %get3A_284 {strides = array<i32>} : memref<3040xi32, #tpu.memory_space<vmem>>, vector<16xi32>,
        %mul3A_292 = arith.constant 27 : i32
        %mul3A_293 = arith.muli %scan3A_281, %mul3A_292 : i32
        %add3A_294 = arith.constant 16 : i32
        %add3A_295 = arith.addi %mul3A_293, %add3A_294 : i32
        %add3A_296 = vector.broadcast %add3A_295 : i32 to vector<16xi32>
        %add3A_297 = arith.addi %add3A_296, %iota3A : vector<16xi32>
        tpu.vector_store_idx %arg10[%add3A_297], %get3A_287 masked %lt3A_4 : memref<3040xi32, #tpu.memory_space<vmem>>[vector<16xi32>], vector<16xi32>, vector<16xi1>
        %scan3A_298 = arith.constant 2 : i32
        %scan3A_299 = arith.addi %scan3A_265, %scan3A_298 : i32
        %get3A_300 = arith.index_cast %scan3A_299 : i32 to index
        %get3A_301 = arith.constant 0 : index
        %get3A_302 = tpu.vector_load %arg8[%get3A_300, %get3A_301] {strides = array<i32>} : memref<112x32xi32, #tpu.memory_space<vmem>>, vector<16xi32>,
        %get3A_303 = arith.index_cast %scan3A_299 : i32 to index
        %get3A_304 = arith.constant 16 : index
        %get3A_305 = tpu.vector_load %arg8[%get3A_303, %get3A_304] {strides = array<i32>} : memref<112x32xi32, #tpu.memory_space<vmem>>, vector<16xi32>,
        %mul3A_306 = arith.constant 27 : i32
        %mul3A_307 = arith.muli %scan3A_299, %mul3A_306 : i32
        %swap3A_308 = arith.index_cast %mul3A_307 : i32 to index
        %swap3A_309 = tpu.vector_load %arg10[%swap3A_308] {strides = array<i32>} : memref<3040xi32, #tpu.memory_space<vmem>>, vector<16xi32>,
        tpu.vector_store %arg10[%swap3A_308], %get3A_302 {strides = array<i32>} : memref<3040xi32, #tpu.memory_space<vmem>>, vector<16xi32>,
        %mul3A_310 = arith.constant 27 : i32
        %mul3A_311 = arith.muli %scan3A_299, %mul3A_310 : i32
        %add3A_312 = arith.constant 16 : i32
        %add3A_313 = arith.addi %mul3A_311, %add3A_312 : i32
        %add3A_314 = vector.broadcast %add3A_313 : i32 to vector<16xi32>
        %add3A_315 = arith.addi %add3A_314, %iota3A : vector<16xi32>
        tpu.vector_store_idx %arg10[%add3A_315], %get3A_305 masked %lt3A_4 : memref<3040xi32, #tpu.memory_space<vmem>>[vector<16xi32>], vector<16xi32>, vector<16xi1>
        %scan3A_316 = arith.constant 3 : i32
        %scan3A_317 = arith.addi %scan3A_265, %scan3A_316 : i32
        %get3A_318 = arith.index_cast %scan3A_317 : i32 to index
        %get3A_319 = arith.constant 0 : index
        %get3A_320 = tpu.vector_load %arg8[%get3A_318, %get3A_319] {strides = array<i32>} : memref<112x32xi32, #tpu.memory_space<vmem>>, vector<16xi32>,
        %get3A_321 = arith.index_cast %scan3A_317 : i32 to index
        %get3A_322 = arith.constant 16 : index
        %get3A_323 = tpu.vector_load %arg8[%get3A_321, %get3A_322] {strides = array<i32>} : memref<112x32xi32, #tpu.memory_space<vmem>>, vector<16xi32>,
        %mul3A_324 = arith.constant 27 : i32
        %mul3A_325 = arith.muli %scan3A_317, %mul3A_324 : i32
        %swap3A_326 = arith.index_cast %mul3A_325 : i32 to index
        %swap3A_327 = tpu.vector_load %arg10[%swap3A_326] {strides = array<i32>} : memref<3040xi32, #tpu.memory_space<vmem>>, vector<16xi32>,
        tpu.vector_store %arg10[%swap3A_326], %get3A_320 {strides = array<i32>} : memref<3040xi32, #tpu.memory_space<vmem>>, vector<16xi32>,
        %mul3A_328 = arith.constant 27 : i32
        %mul3A_329 = arith.muli %scan3A_317, %mul3A_328 : i32
        %add3A_330 = arith.constant 16 : i32
        %add3A_331 = arith.addi %mul3A_329, %add3A_330 : i32
        %add3A_332 = vector.broadcast %add3A_331 : i32 to vector<16xi32>
        %add3A_333 = arith.addi %add3A_332, %iota3A : vector<16xi32>
        tpu.vector_store_idx %arg10[%add3A_333], %get3A_323 masked %lt3A_4 : memref<3040xi32, #tpu.memory_space<vmem>>[vector<16xi32>], vector<16xi32>, vector<16xi1>
      }
      %scan3A_162 = arith.constant 112 : i32
      %mul3A_163 = arith.constant 112 : i32
      %mul3A_164 = arith.muli %add3A_144, %mul3A_163 : i32
      %add3A_165 = arith.addi %mul3A_2, %mul3A_164 : i32
      %mul3A_166 = arith.constant 27 : i32
      %mul3A_167 = arith.muli %add3A_165, %mul3A_166 : i32
      %dma_start3A_168 = arith.constant 0 : i32
      %dma_start3A_169 = tpu.memref_slice %arg10[%dma_start3A_168] : memref<3040xi32, #tpu.memory_space<vmem>> -> memref<3024xi32, #tpu.memory_space<vmem>>
      %dma_start3A_170 = tpu.memref_slice %arg5[%mul3A_167] : memref<1354752xi32, #tpu.memory_space<hbm>> -> memref<3024xi32, #tpu.memory_space<hbm>>
      %dma_start3A_171 = tpu.memref_slice %arg5[%mul3A_167] : memref<1354752xi32, #tpu.memory_space<hbm>> -> memref<3024xi32, #tpu.memory_space<hbm>>
      %dma_start3A_172 = arith.constant 0 : i32
      %dma_start3A_173 = tpu.memref_slice %arg10[%dma_start3A_172] : memref<3040xi32, #tpu.memory_space<vmem>> -> memref<3024xi32, #tpu.memory_space<vmem>>
      tpu.enqueue_dma source(%dma_start3A_173 : memref<3024xi32, #tpu.memory_space<vmem>>) target(%dma_start3A_171 : memref<3024xi32, #tpu.memory_space<hbm>>) target_semaphore(%arg17 : memref<!tpu.dma_semaphore, #tpu.memory_space<semaphore_mem>>)
      %dma_wait3A_174 = arith.constant 0 : i32
      %dma_wait3A_175 = arith.constant 0 : i32
      %dma_wait3A_176 = tpu.memref_slice %arg6[%dma_wait3A_174, %dma_wait3A_175] : memref<1354752x16xbf16, #tpu.memory_space<hbm>> -> memref<3024x16xbf16, #tpu.memory_space<hbm>>
      %dma_wait3A_177 = arith.constant 0 : i32
      %dma_wait3A_178 = arith.constant 0 : i32
      %dma_wait3A_179 = tpu.memref_slice %arg6[%dma_wait3A_177, %dma_wait3A_178] : memref<1354752x16xbf16, #tpu.memory_space<hbm>> -> memref<3024x16xbf16, #tpu.memory_space<hbm>>
      tpu.wait_dma2 semaphore(%arg14 : memref<!tpu.dma_semaphore, #tpu.memory_space<semaphore_mem>>) src(%arg11 : memref<3024x16xbf16, #tpu.memory_space<vmem>>) dst(%dma_wait3A_179 : memref<3024x16xbf16, #tpu.memory_space<hbm>>)
      %sub3A = arith.constant 1 : i32
      %sub3A_180 = arith.subi %add3A_144, %sub3A : i32
      %mul3A_181 = arith.constant 112 : i32
      %mul3A_182 = arith.muli %sub3A_180, %mul3A_181 : i32
      %add3A_183 = arith.addi %mul3A_2, %mul3A_182 : i32
      %mul3A_184 = arith.constant 27 : i32
      %mul3A_185 = arith.muli %add3A_183, %mul3A_184 : i32
      %dma_start3A_186 = arith.constant 0 : i32
      %dma_start3A_187 = tpu.memref_slice %arg6[%mul3A_185, %dma_start3A_186] : memref<1354752x16xbf16, #tpu.memory_space<hbm>> -> memref<3024x16xbf16, #tpu.memory_space<hbm>>
      %dma_start3A_188 = arith.constant 0 : i32
      %dma_start3A_189 = tpu.memref_slice %arg6[%mul3A_185, %dma_start3A_188] : memref<1354752x16xbf16, #tpu.memory_space<hbm>> -> memref<3024x16xbf16, #tpu.memory_space<hbm>>
      tpu.enqueue_dma source(%arg11 : memref<3024x16xbf16, #tpu.memory_space<vmem>>) target(%dma_start3A_189 : memref<3024x16xbf16, #tpu.memory_space<hbm>>) target_semaphore(%arg18 : memref<!tpu.dma_semaphore, #tpu.memory_space<semaphore_mem>>)
      %ge3A_190 = arith.constant 1 : i32
      %ge3A_191 = arith.cmpi sge, %scan3A_140, %ge3A_190 : i32
      %convert_element_type3A_192 = arith.extui %ge3A_191 : i1 to i32
      %cond3A_193 = arith.constant 0 : i32
      %cond3A_194 = arith.cmpi ne, %convert_element_type3A_192, %cond3A_193 : i32
      scf.if %cond3A_194 {
        %dma_wait3A_265 = arith.constant 0 : i32
        %dma_wait3A_266 = arith.constant 0 : i32
        %dma_wait3A_267 = tpu.memref_slice %arg6[%dma_wait3A_265, %dma_wait3A_266] : memref<1354752x16xbf16, #tpu.memory_space<hbm>> -> memref<3024x16xbf16, #tpu.memory_space<hbm>>
        %dma_wait3A_268 = arith.constant 0 : i32
        %dma_wait3A_269 = arith.constant 0 : i32
        %dma_wait3A_270 = tpu.memref_slice %arg6[%dma_wait3A_268, %dma_wait3A_269] : memref<1354752x16xbf16, #tpu.memory_space<hbm>> -> memref<3024x16xbf16, #tpu.memory_space<hbm>>
        tpu.wait_dma2 semaphore(%arg19 : memref<!tpu.dma_semaphore, #tpu.memory_space<semaphore_mem>>) src(%arg12 : memref<3024x16xbf16, #tpu.memory_space<vmem>>) dst(%dma_wait3A_270 : memref<3024x16xbf16, #tpu.memory_space<hbm>>)
      } else {
      }
      %dma_start3A_195 = arith.constant 0 : i32
      %dma_start3A_196 = tpu.memref_slice %arg10[%dma_start3A_195] : memref<3040xi32, #tpu.memory_space<vmem>> -> memref<3024xi32, #tpu.memory_space<vmem>>
      %dma_start3A_197 = arith.constant 0 : i32
      %dma_start3A_198 = arith.constant 0 : i32
      %dma_start3A_199 = tpu.memref_slice %arg4[%dma_start3A_197, %dma_start3A_198] : memref<100000x16xbf16, #tpu.memory_space<hbm>> -> memref<100000x16xbf16, #tpu.memory_space<hbm>>
      tpu.enqueue_indirect_dma source(%dma_start3A_199 : memref<100000x16xbf16, #tpu.memory_space<hbm>>) target(%arg12 : memref<3024x16xbf16, #tpu.memory_space<vmem>>) offsets(%dma_start3A_196 : memref<3024xi32, #tpu.memory_space<vmem>>) semaphore(%arg15 : memref<!tpu.dma_semaphore, #tpu.memory_space<semaphore_mem>>)
      %add3A_200 = arith.constant 1 : i32
      %add3A_201 = arith.addi %add3A_144, %add3A_200 : i32
      %dma_wait3A_202 = arith.constant 0 : i32
      %dma_wait3A_203 = tpu.memref_slice %arg9[%dma_wait3A_202] : memref<3040xi32, #tpu.memory_space<vmem>> -> memref<3024xi32, #tpu.memory_space<vmem>>
      %dma_wait3A_204 = arith.constant 0 : i32
      %dma_wait3A_205 = tpu.memref_slice %arg5[%dma_wait3A_204] : memref<1354752xi32, #tpu.memory_space<hbm>> -> memref<3024xi32, #tpu.memory_space<hbm>>
      %dma_wait3A_206 = arith.constant 0 : i32
      %dma_wait3A_207 = tpu.memref_slice %arg5[%dma_wait3A_206] : memref<1354752xi32, #tpu.memory_space<hbm>> -> memref<3024xi32, #tpu.memory_space<hbm>>
      %dma_wait3A_208 = arith.constant 0 : i32
      %dma_wait3A_209 = tpu.memref_slice %arg9[%dma_wait3A_208] : memref<3040xi32, #tpu.memory_space<vmem>> -> memref<3024xi32, #tpu.memory_space<vmem>>
      tpu.wait_dma2 semaphore(%arg16 : memref<!tpu.dma_semaphore, #tpu.memory_space<semaphore_mem>>) src(%dma_wait3A_209 : memref<3024xi32, #tpu.memory_space<vmem>>) dst(%dma_wait3A_207 : memref<3024xi32, #tpu.memory_space<hbm>>)
      %mul3A_210 = arith.constant 112 : i32
      %mul3A_211 = arith.muli %add3A_201, %mul3A_210 : i32
      %dma_start3A_212 = tpu.memref_slice %arg7[%mul3A_211] : memref<1568xi32, #tpu.memory_space<vmem>> -> memref<112xi32, #tpu.memory_space<vmem>>
      %dma_start3A_213 = arith.constant 0 : i32
      %dma_start3A_214 = arith.constant 0 : i32
      %dma_start3A_215 = tpu.memref_slice %arg2[%dma_start3A_213, %dma_start3A_214] : memref<100000x32xi32, #tpu.memory_space<hbm>> -> memref<100000x32xi32, #tpu.memory_space<hbm>>
      tpu.enqueue_indirect_dma source(%dma_start3A_215 : memref<100000x32xi32, #tpu.memory_space<hbm>>) target(%arg8 : memref<112x32xi32, #tpu.memory_space<vmem>>) offsets(%dma_start3A_212 : memref<112xi32, #tpu.memory_space<vmem>>) semaphore(%arg13 : memref<!tpu.dma_semaphore, #tpu.memory_space<semaphore_mem>>)
      %dma_wait3A_216 = tpu.memref_slice %arg7[%mul3A_211] : memref<1568xi32, #tpu.memory_space<vmem>> -> memref<112xi32, #tpu.memory_space<vmem>>
      %dma_wait3A_217 = arith.constant 0 : i32
      %dma_wait3A_218 = arith.constant 0 : i32
      %dma_wait3A_219 = tpu.memref_slice %arg2[%dma_wait3A_217, %dma_wait3A_218] : memref<100000x32xi32, #tpu.memory_space<hbm>> -> memref<100000x32xi32, #tpu.memory_space<hbm>>
      tpu.wait_indirect_dma semaphore(%arg13 : memref<!tpu.dma_semaphore, #tpu.memory_space<semaphore_mem>>) src(%dma_wait3A_219 : memref<100000x32xi32, #tpu.memory_space<hbm>>) dst(%arg8 : memref<112x32xi32, #tpu.memory_space<vmem>>)
      %scan3A_220 = arith.constant 0 : i32
      %scan3A_221 = arith.constant 0 : i32
      %scan3A_222 = arith.constant 112 : i32
      %scan3A_223 = arith.addi %scan3A_221, %scan3A_222 : i32
      %scan3A_224 = arith.constant 4 : i32
      scf.for %scan3A_265 = %scan3A_221 to %scan3A_223 step %scan3A_224  : i32 {
        %get3A = arith.index_cast %scan3A_265 : i32 to index
        %get3A_266 = arith.constant 0 : index
        %get3A_267 = tpu.vector_load %arg8[%get3A, %get3A_266] {strides = array<i32>} : memref<112x32xi32, #tpu.memory_space<vmem>>, vector<16xi32>,
        %get3A_268 = arith.index_cast %scan3A_265 : i32 to index
        %get3A_269 = arith.constant 16 : index
        %get3A_270 = tpu.vector_load %arg8[%get3A_268, %get3A_269] {strides = array<i32>} : memref<112x32xi32, #tpu.memory_space<vmem>>, vector<16xi32>,
        %mul3A_271 = arith.constant 27 : i32
        %mul3A_272 = arith.muli %scan3A_265, %mul3A_271 : i32
        %swap3A = arith.index_cast %mul3A_272 : i32 to index
        %swap3A_273 = tpu.vector_load %arg9[%swap3A] {strides = array<i32>} : memref<3040xi32, #tpu.memory_space<vmem>>, vector<16xi32>,
        tpu.vector_store %arg9[%swap3A], %get3A_267 {strides = array<i32>} : memref<3040xi32, #tpu.memory_space<vmem>>, vector<16xi32>,
        %mul3A_274 = arith.constant 27 : i32
        %mul3A_275 = arith.muli %scan3A_265, %mul3A_274 : i32
        %add3A_276 = arith.constant 16 : i32
        %add3A_277 = arith.addi %mul3A_275, %add3A_276 : i32
        %add3A_278 = vector.broadcast %add3A_277 : i32 to vector<16xi32>
        %add3A_279 = arith.addi %add3A_278, %iota3A : vector<16xi32>
        tpu.vector_store_idx %arg9[%add3A_279], %get3A_270 masked %lt3A_4 : memref<3040xi32, #tpu.memory_space<vmem>>[vector<16xi32>], vector<16xi32>, vector<16xi1>
        %scan3A_280 = arith.constant 1 : i32
        %scan3A_281 = arith.addi %scan3A_265, %scan3A_280 : i32
        %get3A_282 = arith.index_cast %scan3A_281 : i32 to index
        %get3A_283 = arith.constant 0 : index
        %get3A_284 = tpu.vector_load %arg8[%get3A_282, %get3A_283] {strides = array<i32>} : memref<112x32xi32, #tpu.memory_space<vmem>>, vector<16xi32>,
        %get3A_285 = arith.index_cast %scan3A_281 : i32 to index
        %get3A_286 = arith.constant 16 : index
        %get3A_287 = tpu.vector_load %arg8[%get3A_285, %get3A_286] {strides = array<i32>} : memref<112x32xi32, #tpu.memory_space<vmem>>, vector<16xi32>,
        %mul3A_288 = arith.constant 27 : i32
        %mul3A_289 = arith.muli %scan3A_281, %mul3A_288 : i32
        %swap3A_290 = arith.index_cast %mul3A_289 : i32 to index
        %swap3A_291 = tpu.vector_load %arg9[%swap3A_290] {strides = array<i32>} : memref<3040xi32, #tpu.memory_space<vmem>>, vector<16xi32>,
        tpu.vector_store %arg9[%swap3A_290], %get3A_284 {strides = array<i32>} : memref<3040xi32, #tpu.memory_space<vmem>>, vector<16xi32>,
        %mul3A_292 = arith.constant 27 : i32
        %mul3A_293 = arith.muli %scan3A_281, %mul3A_292 : i32
        %add3A_294 = arith.constant 16 : i32
        %add3A_295 = arith.addi %mul3A_293, %add3A_294 : i32
        %add3A_296 = vector.broadcast %add3A_295 : i32 to vector<16xi32>
        %add3A_297 = arith.addi %add3A_296, %iota3A : vector<16xi32>
        tpu.vector_store_idx %arg9[%add3A_297], %get3A_287 masked %lt3A_4 : memref<3040xi32, #tpu.memory_space<vmem>>[vector<16xi32>], vector<16xi32>, vector<16xi1>
        %scan3A_298 = arith.constant 2 : i32
        %scan3A_299 = arith.addi %scan3A_265, %scan3A_298 : i32
        %get3A_300 = arith.index_cast %scan3A_299 : i32 to index
        %get3A_301 = arith.constant 0 : index
        %get3A_302 = tpu.vector_load %arg8[%get3A_300, %get3A_301] {strides = array<i32>} : memref<112x32xi32, #tpu.memory_space<vmem>>, vector<16xi32>,
        %get3A_303 = arith.index_cast %scan3A_299 : i32 to index
        %get3A_304 = arith.constant 16 : index
        %get3A_305 = tpu.vector_load %arg8[%get3A_303, %get3A_304] {strides = array<i32>} : memref<112x32xi32, #tpu.memory_space<vmem>>, vector<16xi32>,
        %mul3A_306 = arith.constant 27 : i32
        %mul3A_307 = arith.muli %scan3A_299, %mul3A_306 : i32
        %swap3A_308 = arith.index_cast %mul3A_307 : i32 to index
        %swap3A_309 = tpu.vector_load %arg9[%swap3A_308] {strides = array<i32>} : memref<3040xi32, #tpu.memory_space<vmem>>, vector<16xi32>,
        tpu.vector_store %arg9[%swap3A_308], %get3A_302 {strides = array<i32>} : memref<3040xi32, #tpu.memory_space<vmem>>, vector<16xi32>,
        %mul3A_310 = arith.constant 27 : i32
        %mul3A_311 = arith.muli %scan3A_299, %mul3A_310 : i32
        %add3A_312 = arith.constant 16 : i32
        %add3A_313 = arith.addi %mul3A_311, %add3A_312 : i32
        %add3A_314 = vector.broadcast %add3A_313 : i32 to vector<16xi32>
        %add3A_315 = arith.addi %add3A_314, %iota3A : vector<16xi32>
        tpu.vector_store_idx %arg9[%add3A_315], %get3A_305 masked %lt3A_4 : memref<3040xi32, #tpu.memory_space<vmem>>[vector<16xi32>], vector<16xi32>, vector<16xi1>
        %scan3A_316 = arith.constant 3 : i32
        %scan3A_317 = arith.addi %scan3A_265, %scan3A_316 : i32
        %get3A_318 = arith.index_cast %scan3A_317 : i32 to index
        %get3A_319 = arith.constant 0 : index
        %get3A_320 = tpu.vector_load %arg8[%get3A_318, %get3A_319] {strides = array<i32>} : memref<112x32xi32, #tpu.memory_space<vmem>>, vector<16xi32>,
        %get3A_321 = arith.index_cast %scan3A_317 : i32 to index
        %get3A_322 = arith.constant 16 : index
        %get3A_323 = tpu.vector_load %arg8[%get3A_321, %get3A_322] {strides = array<i32>} : memref<112x32xi32, #tpu.memory_space<vmem>>, vector<16xi32>,
        %mul3A_324 = arith.constant 27 : i32
        %mul3A_325 = arith.muli %scan3A_317, %mul3A_324 : i32
        %swap3A_326 = arith.index_cast %mul3A_325 : i32 to index
        %swap3A_327 = tpu.vector_load %arg9[%swap3A_326] {strides = array<i32>} : memref<3040xi32, #tpu.memory_space<vmem>>, vector<16xi32>,
        tpu.vector_store %arg9[%swap3A_326], %get3A_320 {strides = array<i32>} : memref<3040xi32, #tpu.memory_space<vmem>>, vector<16xi32>,
        %mul3A_328 = arith.constant 27 : i32
        %mul3A_329 = arith.muli %scan3A_317, %mul3A_328 : i32
        %add3A_330 = arith.constant 16 : i32
        %add3A_331 = arith.addi %mul3A_329, %add3A_330 : i32
        %add3A_332 = vector.broadcast %add3A_331 : i32 to vector<16xi32>
        %add3A_333 = arith.addi %add3A_332, %iota3A : vector<16xi32>
        tpu.vector_store_idx %arg9[%add3A_333], %get3A_323 masked %lt3A_4 : memref<3040xi32, #tpu.memory_space<vmem>>[vector<16xi32>], vector<16xi32>, vector<16xi1>
      }
      %scan3A_225 = arith.constant 112 : i32
      %mul3A_226 = arith.constant 112 : i32
      %mul3A_227 = arith.muli %add3A_201, %mul3A_226 : i32
      %add3A_228 = arith.addi %mul3A_2, %mul3A_227 : i32
      %mul3A_229 = arith.constant 27 : i32
      %mul3A_230 = arith.muli %add3A_228, %mul3A_229 : i32
      %dma_start3A_231 = arith.constant 0 : i32
      %dma_start3A_232 = tpu.memref_slice %arg9[%dma_start3A_231] : memref<3040xi32, #tpu.memory_space<vmem>> -> memref<3024xi32, #tpu.memory_space<vmem>>
      %dma_start3A_233 = tpu.memref_slice %arg5[%mul3A_230] : memref<1354752xi32, #tpu.memory_space<hbm>> -> memref<3024xi32, #tpu.memory_space<hbm>>
      %dma_start3A_234 = tpu.memref_slice %arg5[%mul3A_230] : memref<1354752xi32, #tpu.memory_space<hbm>> -> memref<3024xi32, #tpu.memory_space<hbm>>
      %dma_start3A_235 = arith.constant 0 : i32
      %dma_start3A_236 = tpu.memref_slice %arg9[%dma_start3A_235] : memref<3040xi32, #tpu.memory_space<vmem>> -> memref<3024xi32, #tpu.memory_space<vmem>>
      tpu.enqueue_dma source(%dma_start3A_236 : memref<3024xi32, #tpu.memory_space<vmem>>) target(%dma_start3A_234 : memref<3024xi32, #tpu.memory_space<hbm>>) target_semaphore(%arg16 : memref<!tpu.dma_semaphore, #tpu.memory_space<semaphore_mem>>)
      %dma_wait3A_237 = arith.constant 0 : i32
      %dma_wait3A_238 = arith.constant 0 : i32
      %dma_wait3A_239 = tpu.memref_slice %arg6[%dma_wait3A_237, %dma_wait3A_238] : memref<1354752x16xbf16, #tpu.memory_space<hbm>> -> memref<3024x16xbf16, #tpu.memory_space<hbm>>
      %dma_wait3A_240 = arith.constant 0 : i32
      %dma_wait3A_241 = arith.constant 0 : i32
      %dma_wait3A_242 = tpu.memref_slice %arg6[%dma_wait3A_240, %dma_wait3A_241] : memref<1354752x16xbf16, #tpu.memory_space<hbm>> -> memref<3024x16xbf16, #tpu.memory_space<hbm>>
      tpu.wait_dma2 semaphore(%arg15 : memref<!tpu.dma_semaphore, #tpu.memory_space<semaphore_mem>>) src(%arg12 : memref<3024x16xbf16, #tpu.memory_space<vmem>>) dst(%dma_wait3A_242 : memref<3024x16xbf16, #tpu.memory_space<hbm>>)
      %sub3A_243 = arith.constant 1 : i32
      %sub3A_244 = arith.subi %add3A_201, %sub3A_243 : i32
      %mul3A_245 = arith.constant 112 : i32
      %mul3A_246 = arith.muli %sub3A_244, %mul3A_245 : i32
      %add3A_247 = arith.addi %mul3A_2, %mul3A_246 : i32
      %mul3A_248 = arith.constant 27 : i32
      %mul3A_249 = arith.muli %add3A_247, %mul3A_248 : i32
      %dma_start3A_250 = arith.constant 0 : i32
      %dma_start3A_251 = tpu.memref_slice %arg6[%mul3A_249, %dma_start3A_250] : memref<1354752x16xbf16, #tpu.memory_space<hbm>> -> memref<3024x16xbf16, #tpu.memory_space<hbm>>
      %dma_start3A_252 = arith.constant 0 : i32
      %dma_start3A_253 = tpu.memref_slice %arg6[%mul3A_249, %dma_start3A_252] : memref<1354752x16xbf16, #tpu.memory_space<hbm>> -> memref<3024x16xbf16, #tpu.memory_space<hbm>>
      tpu.enqueue_dma source(%arg12 : memref<3024x16xbf16, #tpu.memory_space<vmem>>) target(%dma_start3A_253 : memref<3024x16xbf16, #tpu.memory_space<hbm>>) target_semaphore(%arg19 : memref<!tpu.dma_semaphore, #tpu.memory_space<semaphore_mem>>)
      %dma_wait3A_254 = arith.constant 0 : i32
      %dma_wait3A_255 = arith.constant 0 : i32
      %dma_wait3A_256 = tpu.memref_slice %arg6[%dma_wait3A_254, %dma_wait3A_255] : memref<1354752x16xbf16, #tpu.memory_space<hbm>> -> memref<3024x16xbf16, #tpu.memory_space<hbm>>
      %dma_wait3A_257 = arith.constant 0 : i32
      %dma_wait3A_258 = arith.constant 0 : i32
      %dma_wait3A_259 = tpu.memref_slice %arg6[%dma_wait3A_257, %dma_wait3A_258] : memref<1354752x16xbf16, #tpu.memory_space<hbm>> -> memref<3024x16xbf16, #tpu.memory_space<hbm>>
      tpu.wait_dma2 semaphore(%arg18 : memref<!tpu.dma_semaphore, #tpu.memory_space<semaphore_mem>>) src(%arg11 : memref<3024x16xbf16, #tpu.memory_space<vmem>>) dst(%dma_wait3A_259 : memref<3024x16xbf16, #tpu.memory_space<hbm>>)
      %dma_start3A_260 = arith.constant 0 : i32
      %dma_start3A_261 = tpu.memref_slice %arg9[%dma_start3A_260] : memref<3040xi32, #tpu.memory_space<vmem>> -> memref<3024xi32, #tpu.memory_space<vmem>>
      %dma_start3A_262 = arith.constant 0 : i32
      %dma_start3A_263 = arith.constant 0 : i32
      %dma_start3A_264 = tpu.memref_slice %arg4[%dma_start3A_262, %dma_start3A_263] : memref<100000x16xbf16, #tpu.memory_space<hbm>> -> memref<100000x16xbf16, #tpu.memory_space<hbm>>
      tpu.enqueue_indirect_dma source(%dma_start3A_264 : memref<100000x16xbf16, #tpu.memory_space<hbm>>) target(%arg11 : memref<3024x16xbf16, #tpu.memory_space<vmem>>) offsets(%dma_start3A_261 : memref<3024xi32, #tpu.memory_space<vmem>>) semaphore(%arg14 : memref<!tpu.dma_semaphore, #tpu.memory_space<semaphore_mem>>)
    }
    %scan3A_38 = arith.constant 6 : i32
    %dma_wait3A_39 = arith.constant 0 : i32
    %dma_wait3A_40 = tpu.memref_slice %arg10[%dma_wait3A_39] : memref<3040xi32, #tpu.memory_space<vmem>> -> memref<3024xi32, #tpu.memory_space<vmem>>
    %dma_wait3A_41 = arith.constant 0 : i32
    %dma_wait3A_42 = tpu.memref_slice %arg5[%dma_wait3A_41] : memref<1354752xi32, #tpu.memory_space<hbm>> -> memref<3024xi32, #tpu.memory_space<hbm>>
    %dma_wait3A_43 = arith.constant 0 : i32
    %dma_wait3A_44 = tpu.memref_slice %arg5[%dma_wait3A_43] : memref<1354752xi32, #tpu.memory_space<hbm>> -> memref<3024xi32, #tpu.memory_space<hbm>>
    %dma_wait3A_45 = arith.constant 0 : i32
    %dma_wait3A_46 = tpu.memref_slice %arg10[%dma_wait3A_45] : memref<3040xi32, #tpu.memory_space<vmem>> -> memref<3024xi32, #tpu.memory_space<vmem>>
    tpu.wait_dma2 semaphore(%arg17 : memref<!tpu.dma_semaphore, #tpu.memory_space<semaphore_mem>>) src(%dma_wait3A_46 : memref<3024xi32, #tpu.memory_space<vmem>>) dst(%dma_wait3A_44 : memref<3024xi32, #tpu.memory_space<hbm>>)
    %dma_start3A_47 = arith.constant 1456 : i32
    %dma_start3A_48 = tpu.memref_slice %arg7[%dma_start3A_47] : memref<1568xi32, #tpu.memory_space<vmem>> -> memref<112xi32, #tpu.memory_space<vmem>>
    %dma_start3A_49 = arith.constant 0 : i32
    %dma_start3A_50 = arith.constant 0 : i32
    %dma_start3A_51 = tpu.memref_slice %arg2[%dma_start3A_49, %dma_start3A_50] : memref<100000x32xi32, #tpu.memory_space<hbm>> -> memref<100000x32xi32, #tpu.memory_space<hbm>>
    tpu.enqueue_indirect_dma source(%dma_start3A_51 : memref<100000x32xi32, #tpu.memory_space<hbm>>) target(%arg8 : memref<112x32xi32, #tpu.memory_space<vmem>>) offsets(%dma_start3A_48 : memref<112xi32, #tpu.memory_space<vmem>>) semaphore(%arg13 : memref<!tpu.dma_semaphore, #tpu.memory_space<semaphore_mem>>)
    %dma_wait3A_52 = arith.constant 1456 : i32
    %dma_wait3A_53 = tpu.memref_slice %arg7[%dma_wait3A_52] : memref<1568xi32, #tpu.memory_space<vmem>> -> memref<112xi32, #tpu.memory_space<vmem>>
    %dma_wait3A_54 = arith.constant 0 : i32
    %dma_wait3A_55 = arith.constant 0 : i32
    %dma_wait3A_56 = tpu.memref_slice %arg2[%dma_wait3A_54, %dma_wait3A_55] : memref<100000x32xi32, #tpu.memory_space<hbm>> -> memref<100000x32xi32, #tpu.memory_space<hbm>>
    tpu.wait_indirect_dma semaphore(%arg13 : memref<!tpu.dma_semaphore, #tpu.memory_space<semaphore_mem>>) src(%dma_wait3A_56 : memref<100000x32xi32, #tpu.memory_space<hbm>>) dst(%arg8 : memref<112x32xi32, #tpu.memory_space<vmem>>)
    %scan3A_57 = arith.constant 0 : i32
    %scan3A_58 = arith.constant 0 : i32
    %scan3A_59 = arith.constant 112 : i32
    %scan3A_60 = arith.addi %scan3A_58, %scan3A_59 : i32
    %scan3A_61 = arith.constant 4 : i32
    scf.for %scan3A_140 = %scan3A_58 to %scan3A_60 step %scan3A_61  : i32 {
      %get3A = arith.index_cast %scan3A_140 : i32 to index
      %get3A_141 = arith.constant 0 : index
      %get3A_142 = tpu.vector_load %arg8[%get3A, %get3A_141] {strides = array<i32>} : memref<112x32xi32, #tpu.memory_space<vmem>>, vector<16xi32>,
      %get3A_143 = arith.index_cast %scan3A_140 : i32 to index
      %get3A_144 = arith.constant 16 : index
      %get3A_145 = tpu.vector_load %arg8[%get3A_143, %get3A_144] {strides = array<i32>} : memref<112x32xi32, #tpu.memory_space<vmem>>, vector<16xi32>,
      %mul3A_146 = arith.constant 27 : i32
      %mul3A_147 = arith.muli %scan3A_140, %mul3A_146 : i32
      %swap3A = arith.index_cast %mul3A_147 : i32 to index
      %swap3A_148 = tpu.vector_load %arg10[%swap3A] {strides = array<i32>} : memref<3040xi32, #tpu.memory_space<vmem>>, vector<16xi32>,
      tpu.vector_store %arg10[%swap3A], %get3A_142 {strides = array<i32>} : memref<3040xi32, #tpu.memory_space<vmem>>, vector<16xi32>,
      %mul3A_149 = arith.constant 27 : i32
      %mul3A_150 = arith.muli %scan3A_140, %mul3A_149 : i32
      %add3A_151 = arith.constant 16 : i32
      %add3A_152 = arith.addi %mul3A_150, %add3A_151 : i32
      %add3A_153 = vector.broadcast %add3A_152 : i32 to vector<16xi32>
      %add3A_154 = arith.addi %add3A_153, %iota3A : vector<16xi32>
      tpu.vector_store_idx %arg10[%add3A_154], %get3A_145 masked %lt3A_4 : memref<3040xi32, #tpu.memory_space<vmem>>[vector<16xi32>], vector<16xi32>, vector<16xi1>
      %scan3A_155 = arith.constant 1 : i32
      %scan3A_156 = arith.addi %scan3A_140, %scan3A_155 : i32
      %get3A_157 = arith.index_cast %scan3A_156 : i32 to index
      %get3A_158 = arith.constant 0 : index
      %get3A_159 = tpu.vector_load %arg8[%get3A_157, %get3A_158] {strides = array<i32>} : memref<112x32xi32, #tpu.memory_space<vmem>>, vector<16xi32>,
      %get3A_160 = arith.index_cast %scan3A_156 : i32 to index
      %get3A_161 = arith.constant 16 : index
      %get3A_162 = tpu.vector_load %arg8[%get3A_160, %get3A_161] {strides = array<i32>} : memref<112x32xi32, #tpu.memory_space<vmem>>, vector<16xi32>,
      %mul3A_163 = arith.constant 27 : i32
      %mul3A_164 = arith.muli %scan3A_156, %mul3A_163 : i32
      %swap3A_165 = arith.index_cast %mul3A_164 : i32 to index
      %swap3A_166 = tpu.vector_load %arg10[%swap3A_165] {strides = array<i32>} : memref<3040xi32, #tpu.memory_space<vmem>>, vector<16xi32>,
      tpu.vector_store %arg10[%swap3A_165], %get3A_159 {strides = array<i32>} : memref<3040xi32, #tpu.memory_space<vmem>>, vector<16xi32>,
      %mul3A_167 = arith.constant 27 : i32
      %mul3A_168 = arith.muli %scan3A_156, %mul3A_167 : i32
      %add3A_169 = arith.constant 16 : i32
      %add3A_170 = arith.addi %mul3A_168, %add3A_169 : i32
      %add3A_171 = vector.broadcast %add3A_170 : i32 to vector<16xi32>
      %add3A_172 = arith.addi %add3A_171, %iota3A : vector<16xi32>
      tpu.vector_store_idx %arg10[%add3A_172], %get3A_162 masked %lt3A_4 : memref<3040xi32, #tpu.memory_space<vmem>>[vector<16xi32>], vector<16xi32>, vector<16xi1>
      %scan3A_173 = arith.constant 2 : i32
      %scan3A_174 = arith.addi %scan3A_140, %scan3A_173 : i32
      %get3A_175 = arith.index_cast %scan3A_174 : i32 to index
      %get3A_176 = arith.constant 0 : index
      %get3A_177 = tpu.vector_load %arg8[%get3A_175, %get3A_176] {strides = array<i32>} : memref<112x32xi32, #tpu.memory_space<vmem>>, vector<16xi32>,
      %get3A_178 = arith.index_cast %scan3A_174 : i32 to index
      %get3A_179 = arith.constant 16 : index
      %get3A_180 = tpu.vector_load %arg8[%get3A_178, %get3A_179] {strides = array<i32>} : memref<112x32xi32, #tpu.memory_space<vmem>>, vector<16xi32>,
      %mul3A_181 = arith.constant 27 : i32
      %mul3A_182 = arith.muli %scan3A_174, %mul3A_181 : i32
      %swap3A_183 = arith.index_cast %mul3A_182 : i32 to index
      %swap3A_184 = tpu.vector_load %arg10[%swap3A_183] {strides = array<i32>} : memref<3040xi32, #tpu.memory_space<vmem>>, vector<16xi32>,
      tpu.vector_store %arg10[%swap3A_183], %get3A_177 {strides = array<i32>} : memref<3040xi32, #tpu.memory_space<vmem>>, vector<16xi32>,
      %mul3A_185 = arith.constant 27 : i32
      %mul3A_186 = arith.muli %scan3A_174, %mul3A_185 : i32
      %add3A_187 = arith.constant 16 : i32
      %add3A_188 = arith.addi %mul3A_186, %add3A_187 : i32
      %add3A_189 = vector.broadcast %add3A_188 : i32 to vector<16xi32>
      %add3A_190 = arith.addi %add3A_189, %iota3A : vector<16xi32>
      tpu.vector_store_idx %arg10[%add3A_190], %get3A_180 masked %lt3A_4 : memref<3040xi32, #tpu.memory_space<vmem>>[vector<16xi32>], vector<16xi32>, vector<16xi1>
      %scan3A_191 = arith.constant 3 : i32
      %scan3A_192 = arith.addi %scan3A_140, %scan3A_191 : i32
      %get3A_193 = arith.index_cast %scan3A_192 : i32 to index
      %get3A_194 = arith.constant 0 : index
      %get3A_195 = tpu.vector_load %arg8[%get3A_193, %get3A_194] {strides = array<i32>} : memref<112x32xi32, #tpu.memory_space<vmem>>, vector<16xi32>,
      %get3A_196 = arith.index_cast %scan3A_192 : i32 to index
      %get3A_197 = arith.constant 16 : index
      %get3A_198 = tpu.vector_load %arg8[%get3A_196, %get3A_197] {strides = array<i32>} : memref<112x32xi32, #tpu.memory_space<vmem>>, vector<16xi32>,
      %mul3A_199 = arith.constant 27 : i32
      %mul3A_200 = arith.muli %scan3A_192, %mul3A_199 : i32
      %swap3A_201 = arith.index_cast %mul3A_200 : i32 to index
      %swap3A_202 = tpu.vector_load %arg10[%swap3A_201] {strides = array<i32>} : memref<3040xi32, #tpu.memory_space<vmem>>, vector<16xi32>,
      tpu.vector_store %arg10[%swap3A_201], %get3A_195 {strides = array<i32>} : memref<3040xi32, #tpu.memory_space<vmem>>, vector<16xi32>,
      %mul3A_203 = arith.constant 27 : i32
      %mul3A_204 = arith.muli %scan3A_192, %mul3A_203 : i32
      %add3A_205 = arith.constant 16 : i32
      %add3A_206 = arith.addi %mul3A_204, %add3A_205 : i32
      %add3A_207 = vector.broadcast %add3A_206 : i32 to vector<16xi32>
      %add3A_208 = arith.addi %add3A_207, %iota3A : vector<16xi32>
      tpu.vector_store_idx %arg10[%add3A_208], %get3A_198 masked %lt3A_4 : memref<3040xi32, #tpu.memory_space<vmem>>[vector<16xi32>], vector<16xi32>, vector<16xi1>
    }
    %scan3A_62 = arith.constant 112 : i32
    %add3A_63 = arith.constant 1456 : i32
    %add3A_64 = arith.addi %mul3A_2, %add3A_63 : i32
    %mul3A_65 = arith.constant 27 : i32
    %mul3A_66 = arith.muli %add3A_64, %mul3A_65 : i32
    %dma_start3A_67 = arith.constant 0 : i32
    %dma_start3A_68 = tpu.memref_slice %arg10[%dma_start3A_67] : memref<3040xi32, #tpu.memory_space<vmem>> -> memref<3024xi32, #tpu.memory_space<vmem>>
    %dma_start3A_69 = tpu.memref_slice %arg5[%mul3A_66] : memref<1354752xi32, #tpu.memory_space<hbm>> -> memref<3024xi32, #tpu.memory_space<hbm>>
    %dma_start3A_70 = tpu.memref_slice %arg5[%mul3A_66] : memref<1354752xi32, #tpu.memory_space<hbm>> -> memref<3024xi32, #tpu.memory_space<hbm>>
    %dma_start3A_71 = arith.constant 0 : i32
    %dma_start3A_72 = tpu.memref_slice %arg10[%dma_start3A_71] : memref<3040xi32, #tpu.memory_space<vmem>> -> memref<3024xi32, #tpu.memory_space<vmem>>
    tpu.enqueue_dma source(%dma_start3A_72 : memref<3024xi32, #tpu.memory_space<vmem>>) target(%dma_start3A_70 : memref<3024xi32, #tpu.memory_space<hbm>>) target_semaphore(%arg17 : memref<!tpu.dma_semaphore, #tpu.memory_space<semaphore_mem>>)
    %dma_wait3A_73 = arith.constant 0 : i32
    %dma_wait3A_74 = arith.constant 0 : i32
    %dma_wait3A_75 = tpu.memref_slice %arg6[%dma_wait3A_73, %dma_wait3A_74] : memref<1354752x16xbf16, #tpu.memory_space<hbm>> -> memref<3024x16xbf16, #tpu.memory_space<hbm>>
    %dma_wait3A_76 = arith.constant 0 : i32
    %dma_wait3A_77 = arith.constant 0 : i32
    %dma_wait3A_78 = tpu.memref_slice %arg6[%dma_wait3A_76, %dma_wait3A_77] : memref<1354752x16xbf16, #tpu.memory_space<hbm>> -> memref<3024x16xbf16, #tpu.memory_space<hbm>>
    tpu.wait_dma2 semaphore(%arg14 : memref<!tpu.dma_semaphore, #tpu.memory_space<semaphore_mem>>) src(%arg11 : memref<3024x16xbf16, #tpu.memory_space<vmem>>) dst(%dma_wait3A_78 : memref<3024x16xbf16, #tpu.memory_space<hbm>>)
    %add3A_79 = arith.constant 1344 : i32
    %add3A_80 = arith.addi %mul3A_2, %add3A_79 : i32
    %mul3A_81 = arith.constant 27 : i32
    %mul3A_82 = arith.muli %add3A_80, %mul3A_81 : i32
    %dma_start3A_83 = arith.constant 0 : i32
    %dma_start3A_84 = tpu.memref_slice %arg6[%mul3A_82, %dma_start3A_83] : memref<1354752x16xbf16, #tpu.memory_space<hbm>> -> memref<3024x16xbf16, #tpu.memory_space<hbm>>
    %dma_start3A_85 = arith.constant 0 : i32
    %dma_start3A_86 = tpu.memref_slice %arg6[%mul3A_82, %dma_start3A_85] : memref<1354752x16xbf16, #tpu.memory_space<hbm>> -> memref<3024x16xbf16, #tpu.memory_space<hbm>>
    tpu.enqueue_dma source(%arg11 : memref<3024x16xbf16, #tpu.memory_space<vmem>>) target(%dma_start3A_86 : memref<3024x16xbf16, #tpu.memory_space<hbm>>) target_semaphore(%arg18 : memref<!tpu.dma_semaphore, #tpu.memory_space<semaphore_mem>>)
    %dma_wait3A_87 = arith.constant 0 : i32
    %dma_wait3A_88 = arith.constant 0 : i32
    %dma_wait3A_89 = tpu.memref_slice %arg6[%dma_wait3A_87, %dma_wait3A_88] : memref<1354752x16xbf16, #tpu.memory_space<hbm>> -> memref<3024x16xbf16, #tpu.memory_space<hbm>>
    %dma_wait3A_90 = arith.constant 0 : i32
    %dma_wait3A_91 = arith.constant 0 : i32
    %dma_wait3A_92 = tpu.memref_slice %arg6[%dma_wait3A_90, %dma_wait3A_91] : memref<1354752x16xbf16, #tpu.memory_space<hbm>> -> memref<3024x16xbf16, #tpu.memory_space<hbm>>
    tpu.wait_dma2 semaphore(%arg19 : memref<!tpu.dma_semaphore, #tpu.memory_space<semaphore_mem>>) src(%arg12 : memref<3024x16xbf16, #tpu.memory_space<vmem>>) dst(%dma_wait3A_92 : memref<3024x16xbf16, #tpu.memory_space<hbm>>)
    %dma_start3A_93 = arith.constant 0 : i32
    %dma_start3A_94 = tpu.memref_slice %arg10[%dma_start3A_93] : memref<3040xi32, #tpu.memory_space<vmem>> -> memref<3024xi32, #tpu.memory_space<vmem>>
    %dma_start3A_95 = arith.constant 0 : i32
    %dma_start3A_96 = arith.constant 0 : i32
    %dma_start3A_97 = tpu.memref_slice %arg4[%dma_start3A_95, %dma_start3A_96] : memref<100000x16xbf16, #tpu.memory_space<hbm>> -> memref<100000x16xbf16, #tpu.memory_space<hbm>>
    tpu.enqueue_indirect_dma source(%dma_start3A_97 : memref<100000x16xbf16, #tpu.memory_space<hbm>>) target(%arg12 : memref<3024x16xbf16, #tpu.memory_space<vmem>>) offsets(%dma_start3A_94 : memref<3024xi32, #tpu.memory_space<vmem>>) semaphore(%arg15 : memref<!tpu.dma_semaphore, #tpu.memory_space<semaphore_mem>>)
    %dma_wait3A_98 = arith.constant 0 : i32
    %dma_wait3A_99 = arith.constant 0 : i32
    %dma_wait3A_100 = tpu.memref_slice %arg6[%dma_wait3A_98, %dma_wait3A_99] : memref<1354752x16xbf16, #tpu.memory_space<hbm>> -> memref<3024x16xbf16, #tpu.memory_space<hbm>>
    %dma_wait3A_101 = arith.constant 0 : i32
    %dma_wait3A_102 = arith.constant 0 : i32
    %dma_wait3A_103 = tpu.memref_slice %arg6[%dma_wait3A_101, %dma_wait3A_102] : memref<1354752x16xbf16, #tpu.memory_space<hbm>> -> memref<3024x16xbf16, #tpu.memory_space<hbm>>
    tpu.wait_dma2 semaphore(%arg15 : memref<!tpu.dma_semaphore, #tpu.memory_space<semaphore_mem>>) src(%arg12 : memref<3024x16xbf16, #tpu.memory_space<vmem>>) dst(%dma_wait3A_103 : memref<3024x16xbf16, #tpu.memory_space<hbm>>)
    %add3A_104 = arith.constant 1456 : i32
    %add3A_105 = arith.addi %mul3A_2, %add3A_104 : i32
    %mul3A_106 = arith.constant 27 : i32
    %mul3A_107 = arith.muli %add3A_105, %mul3A_106 : i32
    %dma_start3A_108 = arith.constant 0 : i32
    %dma_start3A_109 = tpu.memref_slice %arg6[%mul3A_107, %dma_start3A_108] : memref<1354752x16xbf16, #tpu.memory_space<hbm>> -> memref<3024x16xbf16, #tpu.memory_space<hbm>>
    %dma_start3A_110 = arith.constant 0 : i32
    %dma_start3A_111 = tpu.memref_slice %arg6[%mul3A_107, %dma_start3A_110] : memref<1354752x16xbf16, #tpu.memory_space<hbm>> -> memref<3024x16xbf16, #tpu.memory_space<hbm>>
    tpu.enqueue_dma source(%arg12 : memref<3024x16xbf16, #tpu.memory_space<vmem>>) target(%dma_start3A_111 : memref<3024x16xbf16, #tpu.memory_space<hbm>>) target_semaphore(%arg19 : memref<!tpu.dma_semaphore, #tpu.memory_space<semaphore_mem>>)
    %dma_wait3A_112 = arith.constant 0 : i32
    %dma_wait3A_113 = arith.constant 0 : i32
    %dma_wait3A_114 = tpu.memref_slice %arg6[%dma_wait3A_112, %dma_wait3A_113] : memref<1354752x16xbf16, #tpu.memory_space<hbm>> -> memref<3024x16xbf16, #tpu.memory_space<hbm>>
    %dma_wait3A_115 = arith.constant 0 : i32
    %dma_wait3A_116 = arith.constant 0 : i32
    %dma_wait3A_117 = tpu.memref_slice %arg6[%dma_wait3A_115, %dma_wait3A_116] : memref<1354752x16xbf16, #tpu.memory_space<hbm>> -> memref<3024x16xbf16, #tpu.memory_space<hbm>>
    tpu.wait_dma2 semaphore(%arg18 : memref<!tpu.dma_semaphore, #tpu.memory_space<semaphore_mem>>) src(%arg11 : memref<3024x16xbf16, #tpu.memory_space<vmem>>) dst(%dma_wait3A_117 : memref<3024x16xbf16, #tpu.memory_space<hbm>>)
    %dma_wait3A_118 = arith.constant 0 : i32
    %dma_wait3A_119 = arith.constant 0 : i32
    %dma_wait3A_120 = tpu.memref_slice %arg6[%dma_wait3A_118, %dma_wait3A_119] : memref<1354752x16xbf16, #tpu.memory_space<hbm>> -> memref<3024x16xbf16, #tpu.memory_space<hbm>>
    %dma_wait3A_121 = arith.constant 0 : i32
    %dma_wait3A_122 = arith.constant 0 : i32
    %dma_wait3A_123 = tpu.memref_slice %arg6[%dma_wait3A_121, %dma_wait3A_122] : memref<1354752x16xbf16, #tpu.memory_space<hbm>> -> memref<3024x16xbf16, #tpu.memory_space<hbm>>
    tpu.wait_dma2 semaphore(%arg19 : memref<!tpu.dma_semaphore, #tpu.memory_space<semaphore_mem>>) src(%arg12 : memref<3024x16xbf16, #tpu.memory_space<vmem>>) dst(%dma_wait3A_123 : memref<3024x16xbf16, #tpu.memory_space<hbm>>)
    %dma_wait3A_124 = arith.constant 0 : i32
    %dma_wait3A_125 = tpu.memref_slice %arg9[%dma_wait3A_124] : memref<3040xi32, #tpu.memory_space<vmem>> -> memref<3024xi32, #tpu.memory_space<vmem>>
    %dma_wait3A_126 = arith.constant 0 : i32
    %dma_wait3A_127 = tpu.memref_slice %arg5[%dma_wait3A_126] : memref<1354752xi32, #tpu.memory_space<hbm>> -> memref<3024xi32, #tpu.memory_space<hbm>>
    %dma_wait3A_128 = arith.constant 0 : i32
    %dma_wait3A_129 = tpu.memref_slice %arg5[%dma_wait3A_128] : memref<1354752xi32, #tpu.memory_space<hbm>> -> memref<3024xi32, #tpu.memory_space<hbm>>
    %dma_wait3A_130 = arith.constant 0 : i32
    %dma_wait3A_131 = tpu.memref_slice %arg9[%dma_wait3A_130] : memref<3040xi32, #tpu.memory_space<vmem>> -> memref<3024xi32, #tpu.memory_space<vmem>>
    tpu.wait_dma2 semaphore(%arg16 : memref<!tpu.dma_semaphore, #tpu.memory_space<semaphore_mem>>) src(%dma_wait3A_131 : memref<3024xi32, #tpu.memory_space<vmem>>) dst(%dma_wait3A_129 : memref<3024xi32, #tpu.memory_space<hbm>>)
    %dma_wait3A_132 = arith.constant 0 : i32
    %dma_wait3A_133 = tpu.memref_slice %arg10[%dma_wait3A_132] : memref<3040xi32, #tpu.memory_space<vmem>> -> memref<3024xi32, #tpu.memory_space<vmem>>
    %dma_wait3A_134 = arith.constant 0 : i32
    %dma_wait3A_135 = tpu.memref_slice %arg5[%dma_wait3A_134] : memref<1354752xi32, #tpu.memory_space<hbm>> -> memref<3024xi32, #tpu.memory_space<hbm>>
    %dma_wait3A_136 = arith.constant 0 : i32
    %dma_wait3A_137 = tpu.memref_slice %arg5[%dma_wait3A_136] : memref<1354752xi32, #tpu.memory_space<hbm>> -> memref<3024xi32, #tpu.memory_space<hbm>>
    %dma_wait3A_138 = arith.constant 0 : i32
    %dma_wait3A_139 = tpu.memref_slice %arg10[%dma_wait3A_138] : memref<3040xi32, #tpu.memory_space<vmem>> -> memref<3024xi32, #tpu.memory_space<vmem>>
    tpu.wait_dma2 semaphore(%arg17 : memref<!tpu.dma_semaphore, #tpu.memory_space<semaphore_mem>>) src(%dma_wait3A_139 : memref<3024xi32, #tpu.memory_space<vmem>>) dst(%dma_wait3A_137 : memref<3024xi32, #tpu.memory_space<hbm>>)
    return
  }
}

#map = affine_map<(d0, d1) -> (0, 0)>
#map1 = affine_map<(d0, d1) -> (0)>
module attributes {stable_mosaic.version = 14 : i64} {
  func.func @k(%arg0: i32, %arg1: i32, %arg2: memref<100000x32xi32, #tpu.memory_space<hbm>>, %arg3: memref<50176xi32, #tpu.memory_space<hbm>>, %arg4: memref<100000x16xbf16, #tpu.memory_space<hbm>>, %arg5: memref<1354752xi32, #tpu.memory_space<hbm>>, %arg6: memref<1354752x16xbf16, #tpu.memory_space<hbm>>, %arg7: memref<1568xi32, #tpu.memory_space<vmem>>, %arg8: memref<112x32xi32, #tpu.memory_space<vmem>>, %arg9: memref<3040xi32, #tpu.memory_space<vmem>>, %arg10: memref<3040xi32, #tpu.memory_space<vmem>>, %arg11: memref<3024x16xbf16, #tpu.memory_space<vmem>>, %arg12: memref<3024x16xbf16, #tpu.memory_space<vmem>>, %arg13: memref<!tpu.dma_semaphore, #tpu.memory_space<semaphore_mem>>, %arg14: memref<!tpu.dma_semaphore, #tpu.memory_space<semaphore_mem>>, %arg15: memref<!tpu.dma_semaphore, #tpu.memory_space<semaphore_mem>>, %arg16: memref<!tpu.dma_semaphore, #tpu.memory_space<semaphore_mem>>, %arg17: memref<!tpu.dma_semaphore, #tpu.memory_space<semaphore_mem>>, %arg18: memref<!tpu.dma_semaphore, #tpu.memory_space<semaphore_mem>>, %arg19: memref<!tpu.dma_semaphore, #tpu.memory_space<semaphore_mem>>) attributes {dimension_semantics = [#tpu.dimension_semantics<core_parallel>, #tpu.dimension_semantics<subcore_parallel>], iteration_bounds = array<i64: 2, 16>, scalar_prefetch = 0 : i64, scratch_operands = 13 : i64, tpu.core_type = #tpu.core_type<sc_vector_subcore>, window_params = [{transform_indices = #map}, {transform_indices = #map1}, {transform_indices = #map}, {transform_indices = #map1}, {transform_indices = #map}]} {
    %mul3A = arith.constant 2 : i32
    %mul3A_0 = arith.muli %arg1, %mul3A : i32
    %add3A = arith.addi %mul3A_0, %arg0 : i32
    %mul3A_1 = arith.constant 1568 : i32
    %mul3A_2 = arith.muli %add3A, %mul3A_1 : i32
    %iota3A = tpu.iota {dimensions = array<i32: 0>} : vector<16xi32>
    %lt3A = arith.constant 11 : i32
    %lt3A_3 = vector.broadcast %lt3A : i32 to vector<16xi32>
    %lt3A_4 = arith.cmpi slt, %iota3A, %lt3A_3 : vector<16xi32>
    "tpu.region"() ({
      %run_scoped3A = tpu.sem_alloc : memref<!tpu.dma_semaphore, #tpu.memory_space<semaphore_mem>>
      %dma_start3A_140 = tpu.memref_slice %arg3[%mul3A_2] : memref<50176xi32, #tpu.memory_space<hbm>> -> memref<1568xi32, #tpu.memory_space<hbm>>
      %dma_start3A_141 = tpu.memref_slice %arg3[%mul3A_2] : memref<50176xi32, #tpu.memory_space<hbm>> -> memref<1568xi32, #tpu.memory_space<hbm>>
      tpu.enqueue_dma source(%dma_start3A_141 : memref<1568xi32, #tpu.memory_space<hbm>>) target(%arg7 : memref<1568xi32, #tpu.memory_space<vmem>>) target_semaphore(%run_scoped3A : memref<!tpu.dma_semaphore, #tpu.memory_space<semaphore_mem>>)
      %dma_wait3A_142 = tpu.memref_slice %arg3[%mul3A_2] : memref<50176xi32, #tpu.memory_space<hbm>> -> memref<1568xi32, #tpu.memory_space<hbm>>
      %dma_wait3A_143 = tpu.memref_slice %arg3[%mul3A_2] : memref<50176xi32, #tpu.memory_space<hbm>> -> memref<1568xi32, #tpu.memory_space<hbm>>
      tpu.wait_dma2 semaphore(%run_scoped3A : memref<!tpu.dma_semaphore, #tpu.memory_space<semaphore_mem>>) src(%dma_wait3A_143 : memref<1568xi32, #tpu.memory_space<hbm>>) dst(%arg7 : memref<1568xi32, #tpu.memory_space<vmem>>)
      tpu.yield
    }) : () -> ()
    %dma_start3A = arith.constant 0 : i32
    %dma_start3A_5 = tpu.memref_slice %arg7[%dma_start3A] : memref<1568xi32, #tpu.memory_space<vmem>> -> memref<112xi32, #tpu.memory_space<vmem>>
    %dma_start3A_6 = arith.constant 0 : i32
    %dma_start3A_7 = arith.constant 0 : i32
    %dma_start3A_8 = tpu.memref_slice %arg2[%dma_start3A_6, %dma_start3A_7] : memref<100000x32xi32, #tpu.memory_space<hbm>> -> memref<100000x32xi32, #tpu.memory_space<hbm>>
    tpu.enqueue_indirect_dma source(%dma_start3A_8 : memref<100000x32xi32, #tpu.memory_space<hbm>>) target(%arg8 : memref<112x32xi32, #tpu.memory_space<vmem>>) offsets(%dma_start3A_5 : memref<112xi32, #tpu.memory_space<vmem>>) semaphore(%arg13 : memref<!tpu.dma_semaphore, #tpu.memory_space<semaphore_mem>>)
    %dma_wait3A = arith.constant 0 : i32
    %dma_wait3A_9 = tpu.memref_slice %arg7[%dma_wait3A] : memref<1568xi32, #tpu.memory_space<vmem>> -> memref<112xi32, #tpu.memory_space<vmem>>
    %dma_wait3A_10 = arith.constant 0 : i32
    %dma_wait3A_11 = arith.constant 0 : i32
    %dma_wait3A_12 = tpu.memref_slice %arg2[%dma_wait3A_10, %dma_wait3A_11] : memref<100000x32xi32, #tpu.memory_space<hbm>> -> memref<100000x32xi32, #tpu.memory_space<hbm>>
    tpu.wait_indirect_dma semaphore(%arg13 : memref<!tpu.dma_semaphore, #tpu.memory_space<semaphore_mem>>) src(%dma_wait3A_12 : memref<100000x32xi32, #tpu.memory_space<hbm>>) dst(%arg8 : memref<112x32xi32, #tpu.memory_space<vmem>>)
    %scan3A = arith.constant 0 : i32
    %scan3A_13 = arith.constant 0 : i32
    %scan3A_14 = arith.constant 112 : i32
    %scan3A_15 = arith.addi %scan3A_13, %scan3A_14 : i32
    %scan3A_16 = arith.constant 4 : i32
    scf.for %scan3A_140 = %scan3A_13 to %scan3A_15 step %scan3A_16  : i32 {
      %get3A = arith.index_cast %scan3A_140 : i32 to index
      %get3A_141 = arith.constant 0 : index
      %get3A_142 = tpu.vector_load %arg8[%get3A, %get3A_141] {strides = array<i32>} : memref<112x32xi32, #tpu.memory_space<vmem>>, vector<16xi32>,
      %get3A_143 = arith.index_cast %scan3A_140 : i32 to index
      %get3A_144 = arith.constant 16 : index
      %get3A_145 = tpu.vector_load %arg8[%get3A_143, %get3A_144] {strides = array<i32>} : memref<112x32xi32, #tpu.memory_space<vmem>>, vector<16xi32>,
      %mul3A_146 = arith.constant 27 : i32
      %mul3A_147 = arith.muli %scan3A_140, %mul3A_146 : i32
      %swap3A = arith.index_cast %mul3A_147 : i32 to index
      %swap3A_148 = tpu.vector_load %arg9[%swap3A] {strides = array<i32>} : memref<3040xi32, #tpu.memory_space<vmem>>, vector<16xi32>,
      tpu.vector_store %arg9[%swap3A], %get3A_142 {strides = array<i32>} : memref<3040xi32, #tpu.memory_space<vmem>>, vector<16xi32>,
      %mul3A_149 = arith.constant 27 : i32
      %mul3A_150 = arith.muli %scan3A_140, %mul3A_149 : i32
      %add3A_151 = arith.constant 16 : i32
      %add3A_152 = arith.addi %mul3A_150, %add3A_151 : i32
      %add3A_153 = vector.broadcast %add3A_152 : i32 to vector<16xi32>
      %add3A_154 = arith.addi %add3A_153, %iota3A : vector<16xi32>
      tpu.vector_store_idx %arg9[%add3A_154], %get3A_145 masked %lt3A_4 : memref<3040xi32, #tpu.memory_space<vmem>>[vector<16xi32>], vector<16xi32>, vector<16xi1>
      %scan3A_155 = arith.constant 1 : i32
      %scan3A_156 = arith.addi %scan3A_140, %scan3A_155 : i32
      %get3A_157 = arith.index_cast %scan3A_156 : i32 to index
      %get3A_158 = arith.constant 0 : index
      %get3A_159 = tpu.vector_load %arg8[%get3A_157, %get3A_158] {strides = array<i32>} : memref<112x32xi32, #tpu.memory_space<vmem>>, vector<16xi32>,
      %get3A_160 = arith.index_cast %scan3A_156 : i32 to index
      %get3A_161 = arith.constant 16 : index
      %get3A_162 = tpu.vector_load %arg8[%get3A_160, %get3A_161] {strides = array<i32>} : memref<112x32xi32, #tpu.memory_space<vmem>>, vector<16xi32>,
      %mul3A_163 = arith.constant 27 : i32
      %mul3A_164 = arith.muli %scan3A_156, %mul3A_163 : i32
      %swap3A_165 = arith.index_cast %mul3A_164 : i32 to index
      %swap3A_166 = tpu.vector_load %arg9[%swap3A_165] {strides = array<i32>} : memref<3040xi32, #tpu.memory_space<vmem>>, vector<16xi32>,
      tpu.vector_store %arg9[%swap3A_165], %get3A_159 {strides = array<i32>} : memref<3040xi32, #tpu.memory_space<vmem>>, vector<16xi32>,
      %mul3A_167 = arith.constant 27 : i32
      %mul3A_168 = arith.muli %scan3A_156, %mul3A_167 : i32
      %add3A_169 = arith.constant 16 : i32
      %add3A_170 = arith.addi %mul3A_168, %add3A_169 : i32
      %add3A_171 = vector.broadcast %add3A_170 : i32 to vector<16xi32>
      %add3A_172 = arith.addi %add3A_171, %iota3A : vector<16xi32>
      tpu.vector_store_idx %arg9[%add3A_172], %get3A_162 masked %lt3A_4 : memref<3040xi32, #tpu.memory_space<vmem>>[vector<16xi32>], vector<16xi32>, vector<16xi1>
      %scan3A_173 = arith.constant 2 : i32
      %scan3A_174 = arith.addi %scan3A_140, %scan3A_173 : i32
      %get3A_175 = arith.index_cast %scan3A_174 : i32 to index
      %get3A_176 = arith.constant 0 : index
      %get3A_177 = tpu.vector_load %arg8[%get3A_175, %get3A_176] {strides = array<i32>} : memref<112x32xi32, #tpu.memory_space<vmem>>, vector<16xi32>,
      %get3A_178 = arith.index_cast %scan3A_174 : i32 to index
      %get3A_179 = arith.constant 16 : index
      %get3A_180 = tpu.vector_load %arg8[%get3A_178, %get3A_179] {strides = array<i32>} : memref<112x32xi32, #tpu.memory_space<vmem>>, vector<16xi32>,
      %mul3A_181 = arith.constant 27 : i32
      %mul3A_182 = arith.muli %scan3A_174, %mul3A_181 : i32
      %swap3A_183 = arith.index_cast %mul3A_182 : i32 to index
      %swap3A_184 = tpu.vector_load %arg9[%swap3A_183] {strides = array<i32>} : memref<3040xi32, #tpu.memory_space<vmem>>, vector<16xi32>,
      tpu.vector_store %arg9[%swap3A_183], %get3A_177 {strides = array<i32>} : memref<3040xi32, #tpu.memory_space<vmem>>, vector<16xi32>,
      %mul3A_185 = arith.constant 27 : i32
      %mul3A_186 = arith.muli %scan3A_174, %mul3A_185 : i32
      %add3A_187 = arith.constant 16 : i32
      %add3A_188 = arith.addi %mul3A_186, %add3A_187 : i32
      %add3A_189 = vector.broadcast %add3A_188 : i32 to vector<16xi32>
      %add3A_190 = arith.addi %add3A_189, %iota3A : vector<16xi32>
      tpu.vector_store_idx %arg9[%add3A_190], %get3A_180 masked %lt3A_4 : memref<3040xi32, #tpu.memory_space<vmem>>[vector<16xi32>], vector<16xi32>, vector<16xi1>
      %scan3A_191 = arith.constant 3 : i32
      %scan3A_192 = arith.addi %scan3A_140, %scan3A_191 : i32
      %get3A_193 = arith.index_cast %scan3A_192 : i32 to index
      %get3A_194 = arith.constant 0 : index
      %get3A_195 = tpu.vector_load %arg8[%get3A_193, %get3A_194] {strides = array<i32>} : memref<112x32xi32, #tpu.memory_space<vmem>>, vector<16xi32>,
      %get3A_196 = arith.index_cast %scan3A_192 : i32 to index
      %get3A_197 = arith.constant 16 : index
      %get3A_198 = tpu.vector_load %arg8[%get3A_196, %get3A_197] {strides = array<i32>} : memref<112x32xi32, #tpu.memory_space<vmem>>, vector<16xi32>,
      %mul3A_199 = arith.constant 27 : i32
      %mul3A_200 = arith.muli %scan3A_192, %mul3A_199 : i32
      %swap3A_201 = arith.index_cast %mul3A_200 : i32 to index
      %swap3A_202 = tpu.vector_load %arg9[%swap3A_201] {strides = array<i32>} : memref<3040xi32, #tpu.memory_space<vmem>>, vector<16xi32>,
      tpu.vector_store %arg9[%swap3A_201], %get3A_195 {strides = array<i32>} : memref<3040xi32, #tpu.memory_space<vmem>>, vector<16xi32>,
      %mul3A_203 = arith.constant 27 : i32
      %mul3A_204 = arith.muli %scan3A_192, %mul3A_203 : i32
      %add3A_205 = arith.constant 16 : i32
      %add3A_206 = arith.addi %mul3A_204, %add3A_205 : i32
      %add3A_207 = vector.broadcast %add3A_206 : i32 to vector<16xi32>
      %add3A_208 = arith.addi %add3A_207, %iota3A : vector<16xi32>
      tpu.vector_store_idx %arg9[%add3A_208], %get3A_198 masked %lt3A_4 : memref<3040xi32, #tpu.memory_space<vmem>>[vector<16xi32>], vector<16xi32>, vector<16xi1>
    }
    %scan3A_17 = arith.constant 112 : i32
    %add3A_18 = arith.constant 0 : i32
    %add3A_19 = arith.addi %mul3A_2, %add3A_18 : i32
    %mul3A_20 = arith.constant 27 : i32
    %mul3A_21 = arith.muli %add3A_19, %mul3A_20 : i32
    %dma_start3A_22 = arith.constant 0 : i32
    %dma_start3A_23 = tpu.memref_slice %arg9[%dma_start3A_22] : memref<3040xi32, #tpu.memory_space<vmem>> -> memref<3024xi32, #tpu.memory_space<vmem>>
    %dma_start3A_24 = tpu.memref_slice %arg5[%mul3A_21] : memref<1354752xi32, #tpu.memory_space<hbm>> -> memref<3024xi32, #tpu.memory_space<hbm>>
    %dma_start3A_25 = tpu.memref_slice %arg5[%mul3A_21] : memref<1354752xi32, #tpu.memory_space<hbm>> -> memref<3024xi32, #tpu.memory_space<hbm>>
    %dma_start3A_26 = arith.constant 0 : i32
    %dma_start3A_27 = tpu.memref_slice %arg9[%dma_start3A_26] : memref<3040xi32, #tpu.memory_space<vmem>> -> memref<3024xi32, #tpu.memory_space<vmem>>
    tpu.enqueue_dma source(%dma_start3A_27 : memref<3024xi32, #tpu.memory_space<vmem>>) target(%dma_start3A_25 : memref<3024xi32, #tpu.memory_space<hbm>>) target_semaphore(%arg16 : memref<!tpu.dma_semaphore, #tpu.memory_space<semaphore_mem>>)
    %dma_start3A_28 = arith.constant 0 : i32
    %dma_start3A_29 = tpu.memref_slice %arg9[%dma_start3A_28] : memref<3040xi32, #tpu.memory_space<vmem>> -> memref<3024xi32, #tpu.memory_space<vmem>>
    %dma_start3A_30 = arith.constant 0 : i32
    %dma_start3A_31 = arith.constant 0 : i32
    %dma_start3A_32 = tpu.memref_slice %arg4[%dma_start3A_30, %dma_start3A_31] : memref<100000x16xbf16, #tpu.memory_space<hbm>> -> memref<100000x16xbf16, #tpu.memory_space<hbm>>
    tpu.enqueue_indirect_dma source(%dma_start3A_32 : memref<100000x16xbf16, #tpu.memory_space<hbm>>) target(%arg11 : memref<3024x16xbf16, #tpu.memory_space<vmem>>) offsets(%dma_start3A_29 : memref<3024xi32, #tpu.memory_space<vmem>>) semaphore(%arg14 : memref<!tpu.dma_semaphore, #tpu.memory_space<semaphore_mem>>)
    %scan3A_33 = arith.constant 0 : i32
    %scan3A_34 = arith.constant 0 : i32
    %scan3A_35 = arith.constant 6 : i32
    %scan3A_36 = arith.addi %scan3A_34, %scan3A_35 : i32
    %scan3A_37 = arith.constant 1 : i32
    scf.for %scan3A_140 = %scan3A_34 to %scan3A_36 step %scan3A_37  : i32 {
      %mul3A_141 = arith.constant 2 : i32
      %mul3A_142 = arith.muli %mul3A_141, %scan3A_140 : i32
      %add3A_143 = arith.constant 1 : i32
      %add3A_144 = arith.addi %add3A_143, %mul3A_142 : i32
      %ge3A = arith.constant 1 : i32
      %ge3A_145 = arith.cmpi sge, %scan3A_140, %ge3A : i32
      %convert_element_type3A = arith.extui %ge3A_145 : i1 to i32
      %cond3A = arith.constant 0 : i32
      %cond3A_146 = arith.cmpi ne, %convert_element_type3A, %cond3A : i32
      scf.if %cond3A_146 {
        %dma_wait3A_265 = arith.constant 0 : i32
        %dma_wait3A_266 = tpu.memref_slice %arg10[%dma_wait3A_265] : memref<3040xi32, #tpu.memory_space<vmem>> -> memref<3024xi32, #tpu.memory_space<vmem>>
        %dma_wait3A_267 = arith.constant 0 : i32
        %dma_wait3A_268 = tpu.memref_slice %arg5[%dma_wait3A_267] : memref<1354752xi32, #tpu.memory_space<hbm>> -> memref<3024xi32, #tpu.memory_space<hbm>>
        %dma_wait3A_269 = arith.constant 0 : i32
        %dma_wait3A_270 = tpu.memref_slice %arg5[%dma_wait3A_269] : memref<1354752xi32, #tpu.memory_space<hbm>> -> memref<3024xi32, #tpu.memory_space<hbm>>
        %dma_wait3A_271 = arith.constant 0 : i32
        %dma_wait3A_272 = tpu.memref_slice %arg10[%dma_wait3A_271] : memref<3040xi32, #tpu.memory_space<vmem>> -> memref<3024xi32, #tpu.memory_space<vmem>>
        tpu.wait_dma2 semaphore(%arg17 : memref<!tpu.dma_semaphore, #tpu.memory_space<semaphore_mem>>) src(%dma_wait3A_272 : memref<3024xi32, #tpu.memory_space<vmem>>) dst(%dma_wait3A_270 : memref<3024xi32, #tpu.memory_space<hbm>>)
      } else {
      }
      %mul3A_147 = arith.constant 112 : i32
      %mul3A_148 = arith.muli %add3A_144, %mul3A_147 : i32
      %dma_start3A_149 = tpu.memref_slice %arg7[%mul3A_148] : memref<1568xi32, #tpu.memory_space<vmem>> -> memref<112xi32, #tpu.memory_space<vmem>>
      %dma_start3A_150 = arith.constant 0 : i32
      %dma_start3A_151 = arith.constant 0 : i32
      %dma_start3A_152 = tpu.memref_slice %arg2[%dma_start3A_150, %dma_start3A_151] : memref<100000x32xi32, #tpu.memory_space<hbm>> -> memref<100000x32xi32, #tpu.memory_space<hbm>>
      tpu.enqueue_indirect_dma source(%dma_start3A_152 : memref<100000x32xi32, #tpu.memory_space<hbm>>) target(%arg8 : memref<112x32xi32, #tpu.memory_space<vmem>>) offsets(%dma_start3A_149 : memref<112xi32, #tpu.memory_space<vmem>>) semaphore(%arg13 : memref<!tpu.dma_semaphore, #tpu.memory_space<semaphore_mem>>)
      %dma_wait3A_153 = tpu.memref_slice %arg7[%mul3A_148] : memref<1568xi32, #tpu.memory_space<vmem>> -> memref<112xi32, #tpu.memory_space<vmem>>
      %dma_wait3A_154 = arith.constant 0 : i32
      %dma_wait3A_155 = arith.constant 0 : i32
      %dma_wait3A_156 = tpu.memref_slice %arg2[%dma_wait3A_154, %dma_wait3A_155] : memref<100000x32xi32, #tpu.memory_space<hbm>> -> memref<100000x32xi32, #tpu.memory_space<hbm>>
      tpu.wait_indirect_dma semaphore(%arg13 : memref<!tpu.dma_semaphore, #tpu.memory_space<semaphore_mem>>) src(%dma_wait3A_156 : memref<100000x32xi32, #tpu.memory_space<hbm>>) dst(%arg8 : memref<112x32xi32, #tpu.memory_space<vmem>>)
      %scan3A_157 = arith.constant 0 : i32
      %scan3A_158 = arith.constant 0 : i32
      %scan3A_159 = arith.constant 112 : i32
      %scan3A_160 = arith.addi %scan3A_158, %scan3A_159 : i32
      %scan3A_161 = arith.constant 4 : i32
      scf.for %scan3A_265 = %scan3A_158 to %scan3A_160 step %scan3A_161  : i32 {
        %get3A = arith.index_cast %scan3A_265 : i32 to index
        %get3A_266 = arith.constant 0 : index
        %get3A_267 = tpu.vector_load %arg8[%get3A, %get3A_266] {strides = array<i32>} : memref<112x32xi32, #tpu.memory_space<vmem>>, vector<16xi32>,
        %get3A_268 = arith.index_cast %scan3A_265 : i32 to index
        %get3A_269 = arith.constant 16 : index
        %get3A_270 = tpu.vector_load %arg8[%get3A_268, %get3A_269] {strides = array<i32>} : memref<112x32xi32, #tpu.memory_space<vmem>>, vector<16xi32>,
        %mul3A_271 = arith.constant 27 : i32
        %mul3A_272 = arith.muli %scan3A_265, %mul3A_271 : i32
        %swap3A = arith.index_cast %mul3A_272 : i32 to index
        %swap3A_273 = tpu.vector_load %arg10[%swap3A] {strides = array<i32>} : memref<3040xi32, #tpu.memory_space<vmem>>, vector<16xi32>,
        tpu.vector_store %arg10[%swap3A], %get3A_267 {strides = array<i32>} : memref<3040xi32, #tpu.memory_space<vmem>>, vector<16xi32>,
        %mul3A_274 = arith.constant 27 : i32
        %mul3A_275 = arith.muli %scan3A_265, %mul3A_274 : i32
        %add3A_276 = arith.constant 16 : i32
        %add3A_277 = arith.addi %mul3A_275, %add3A_276 : i32
        %add3A_278 = vector.broadcast %add3A_277 : i32 to vector<16xi32>
        %add3A_279 = arith.addi %add3A_278, %iota3A : vector<16xi32>
        tpu.vector_store_idx %arg10[%add3A_279], %get3A_270 masked %lt3A_4 : memref<3040xi32, #tpu.memory_space<vmem>>[vector<16xi32>], vector<16xi32>, vector<16xi1>
        %scan3A_280 = arith.constant 1 : i32
        %scan3A_281 = arith.addi %scan3A_265, %scan3A_280 : i32
        %get3A_282 = arith.index_cast %scan3A_281 : i32 to index
        %get3A_283 = arith.constant 0 : index
        %get3A_284 = tpu.vector_load %arg8[%get3A_282, %get3A_283] {strides = array<i32>} : memref<112x32xi32, #tpu.memory_space<vmem>>, vector<16xi32>,
        %get3A_285 = arith.index_cast %scan3A_281 : i32 to index
        %get3A_286 = arith.constant 16 : index
        %get3A_287 = tpu.vector_load %arg8[%get3A_285, %get3A_286] {strides = array<i32>} : memref<112x32xi32, #tpu.memory_space<vmem>>, vector<16xi32>,
        %mul3A_288 = arith.constant 27 : i32
        %mul3A_289 = arith.muli %scan3A_281, %mul3A_288 : i32
        %swap3A_290 = arith.index_cast %mul3A_289 : i32 to index
        %swap3A_291 = tpu.vector_load %arg10[%swap3A_290] {strides = array<i32>} : memref<3040xi32, #tpu.memory_space<vmem>>, vector<16xi32>,
        tpu.vector_store %arg10[%swap3A_290], %get3A_284 {strides = array<i32>} : memref<3040xi32, #tpu.memory_space<vmem>>, vector<16xi32>,
        %mul3A_292 = arith.constant 27 : i32
        %mul3A_293 = arith.muli %scan3A_281, %mul3A_292 : i32
        %add3A_294 = arith.constant 16 : i32
        %add3A_295 = arith.addi %mul3A_293, %add3A_294 : i32
        %add3A_296 = vector.broadcast %add3A_295 : i32 to vector<16xi32>
        %add3A_297 = arith.addi %add3A_296, %iota3A : vector<16xi32>
        tpu.vector_store_idx %arg10[%add3A_297], %get3A_287 masked %lt3A_4 : memref<3040xi32, #tpu.memory_space<vmem>>[vector<16xi32>], vector<16xi32>, vector<16xi1>
        %scan3A_298 = arith.constant 2 : i32
        %scan3A_299 = arith.addi %scan3A_265, %scan3A_298 : i32
        %get3A_300 = arith.index_cast %scan3A_299 : i32 to index
        %get3A_301 = arith.constant 0 : index
        %get3A_302 = tpu.vector_load %arg8[%get3A_300, %get3A_301] {strides = array<i32>} : memref<112x32xi32, #tpu.memory_space<vmem>>, vector<16xi32>,
        %get3A_303 = arith.index_cast %scan3A_299 : i32 to index
        %get3A_304 = arith.constant 16 : index
        %get3A_305 = tpu.vector_load %arg8[%get3A_303, %get3A_304] {strides = array<i32>} : memref<112x32xi32, #tpu.memory_space<vmem>>, vector<16xi32>,
        %mul3A_306 = arith.constant 27 : i32
        %mul3A_307 = arith.muli %scan3A_299, %mul3A_306 : i32
        %swap3A_308 = arith.index_cast %mul3A_307 : i32 to index
        %swap3A_309 = tpu.vector_load %arg10[%swap3A_308] {strides = array<i32>} : memref<3040xi32, #tpu.memory_space<vmem>>, vector<16xi32>,
        tpu.vector_store %arg10[%swap3A_308], %get3A_302 {strides = array<i32>} : memref<3040xi32, #tpu.memory_space<vmem>>, vector<16xi32>,
        %mul3A_310 = arith.constant 27 : i32
        %mul3A_311 = arith.muli %scan3A_299, %mul3A_310 : i32
        %add3A_312 = arith.constant 16 : i32
        %add3A_313 = arith.addi %mul3A_311, %add3A_312 : i32
        %add3A_314 = vector.broadcast %add3A_313 : i32 to vector<16xi32>
        %add3A_315 = arith.addi %add3A_314, %iota3A : vector<16xi32>
        tpu.vector_store_idx %arg10[%add3A_315], %get3A_305 masked %lt3A_4 : memref<3040xi32, #tpu.memory_space<vmem>>[vector<16xi32>], vector<16xi32>, vector<16xi1>
        %scan3A_316 = arith.constant 3 : i32
        %scan3A_317 = arith.addi %scan3A_265, %scan3A_316 : i32
        %get3A_318 = arith.index_cast %scan3A_317 : i32 to index
        %get3A_319 = arith.constant 0 : index
        %get3A_320 = tpu.vector_load %arg8[%get3A_318, %get3A_319] {strides = array<i32>} : memref<112x32xi32, #tpu.memory_space<vmem>>, vector<16xi32>,
        %get3A_321 = arith.index_cast %scan3A_317 : i32 to index
        %get3A_322 = arith.constant 16 : index
        %get3A_323 = tpu.vector_load %arg8[%get3A_321, %get3A_322] {strides = array<i32>} : memref<112x32xi32, #tpu.memory_space<vmem>>, vector<16xi32>,
        %mul3A_324 = arith.constant 27 : i32
        %mul3A_325 = arith.muli %scan3A_317, %mul3A_324 : i32
        %swap3A_326 = arith.index_cast %mul3A_325 : i32 to index
        %swap3A_327 = tpu.vector_load %arg10[%swap3A_326] {strides = array<i32>} : memref<3040xi32, #tpu.memory_space<vmem>>, vector<16xi32>,
        tpu.vector_store %arg10[%swap3A_326], %get3A_320 {strides = array<i32>} : memref<3040xi32, #tpu.memory_space<vmem>>, vector<16xi32>,
        %mul3A_328 = arith.constant 27 : i32
        %mul3A_329 = arith.muli %scan3A_317, %mul3A_328 : i32
        %add3A_330 = arith.constant 16 : i32
        %add3A_331 = arith.addi %mul3A_329, %add3A_330 : i32
        %add3A_332 = vector.broadcast %add3A_331 : i32 to vector<16xi32>
        %add3A_333 = arith.addi %add3A_332, %iota3A : vector<16xi32>
        tpu.vector_store_idx %arg10[%add3A_333], %get3A_323 masked %lt3A_4 : memref<3040xi32, #tpu.memory_space<vmem>>[vector<16xi32>], vector<16xi32>, vector<16xi1>
      }
      %scan3A_162 = arith.constant 112 : i32
      %mul3A_163 = arith.constant 112 : i32
      %mul3A_164 = arith.muli %add3A_144, %mul3A_163 : i32
      %add3A_165 = arith.addi %mul3A_2, %mul3A_164 : i32
      %mul3A_166 = arith.constant 27 : i32
      %mul3A_167 = arith.muli %add3A_165, %mul3A_166 : i32
      %dma_start3A_168 = arith.constant 0 : i32
      %dma_start3A_169 = tpu.memref_slice %arg10[%dma_start3A_168] : memref<3040xi32, #tpu.memory_space<vmem>> -> memref<3024xi32, #tpu.memory_space<vmem>>
      %dma_start3A_170 = tpu.memref_slice %arg5[%mul3A_167] : memref<1354752xi32, #tpu.memory_space<hbm>> -> memref<3024xi32, #tpu.memory_space<hbm>>
      %dma_start3A_171 = tpu.memref_slice %arg5[%mul3A_167] : memref<1354752xi32, #tpu.memory_space<hbm>> -> memref<3024xi32, #tpu.memory_space<hbm>>
      %dma_start3A_172 = arith.constant 0 : i32
      %dma_start3A_173 = tpu.memref_slice %arg10[%dma_start3A_172] : memref<3040xi32, #tpu.memory_space<vmem>> -> memref<3024xi32, #tpu.memory_space<vmem>>
      tpu.enqueue_dma source(%dma_start3A_173 : memref<3024xi32, #tpu.memory_space<vmem>>) target(%dma_start3A_171 : memref<3024xi32, #tpu.memory_space<hbm>>) target_semaphore(%arg17 : memref<!tpu.dma_semaphore, #tpu.memory_space<semaphore_mem>>)
      %dma_wait3A_174 = arith.constant 0 : i32
      %dma_wait3A_175 = arith.constant 0 : i32
      %dma_wait3A_176 = tpu.memref_slice %arg6[%dma_wait3A_174, %dma_wait3A_175] : memref<1354752x16xbf16, #tpu.memory_space<hbm>> -> memref<3024x16xbf16, #tpu.memory_space<hbm>>
      %dma_wait3A_177 = arith.constant 0 : i32
      %dma_wait3A_178 = arith.constant 0 : i32
      %dma_wait3A_179 = tpu.memref_slice %arg6[%dma_wait3A_177, %dma_wait3A_178] : memref<1354752x16xbf16, #tpu.memory_space<hbm>> -> memref<3024x16xbf16, #tpu.memory_space<hbm>>
      tpu.wait_dma2 semaphore(%arg14 : memref<!tpu.dma_semaphore, #tpu.memory_space<semaphore_mem>>) src(%arg11 : memref<3024x16xbf16, #tpu.memory_space<vmem>>) dst(%dma_wait3A_179 : memref<3024x16xbf16, #tpu.memory_space<hbm>>)
      %sub3A = arith.constant 1 : i32
      %sub3A_180 = arith.subi %add3A_144, %sub3A : i32
      %mul3A_181 = arith.constant 112 : i32
      %mul3A_182 = arith.muli %sub3A_180, %mul3A_181 : i32
      %add3A_183 = arith.addi %mul3A_2, %mul3A_182 : i32
      %mul3A_184 = arith.constant 27 : i32
      %mul3A_185 = arith.muli %add3A_183, %mul3A_184 : i32
      %dma_start3A_186 = arith.constant 0 : i32
      %dma_start3A_187 = tpu.memref_slice %arg6[%mul3A_185, %dma_start3A_186] : memref<1354752x16xbf16, #tpu.memory_space<hbm>> -> memref<3024x16xbf16, #tpu.memory_space<hbm>>
      %dma_start3A_188 = arith.constant 0 : i32
      %dma_start3A_189 = tpu.memref_slice %arg6[%mul3A_185, %dma_start3A_188] : memref<1354752x16xbf16, #tpu.memory_space<hbm>> -> memref<3024x16xbf16, #tpu.memory_space<hbm>>
      tpu.enqueue_dma source(%arg11 : memref<3024x16xbf16, #tpu.memory_space<vmem>>) target(%dma_start3A_189 : memref<3024x16xbf16, #tpu.memory_space<hbm>>) target_semaphore(%arg18 : memref<!tpu.dma_semaphore, #tpu.memory_space<semaphore_mem>>)
      %ge3A_190 = arith.constant 1 : i32
      %ge3A_191 = arith.cmpi sge, %scan3A_140, %ge3A_190 : i32
      %convert_element_type3A_192 = arith.extui %ge3A_191 : i1 to i32
      %cond3A_193 = arith.constant 0 : i32
      %cond3A_194 = arith.cmpi ne, %convert_element_type3A_192, %cond3A_193 : i32
      scf.if %cond3A_194 {
        %dma_wait3A_265 = arith.constant 0 : i32
        %dma_wait3A_266 = arith.constant 0 : i32
        %dma_wait3A_267 = tpu.memref_slice %arg6[%dma_wait3A_265, %dma_wait3A_266] : memref<1354752x16xbf16, #tpu.memory_space<hbm>> -> memref<3024x16xbf16, #tpu.memory_space<hbm>>
        %dma_wait3A_268 = arith.constant 0 : i32
        %dma_wait3A_269 = arith.constant 0 : i32
        %dma_wait3A_270 = tpu.memref_slice %arg6[%dma_wait3A_268, %dma_wait3A_269] : memref<1354752x16xbf16, #tpu.memory_space<hbm>> -> memref<3024x16xbf16, #tpu.memory_space<hbm>>
        tpu.wait_dma2 semaphore(%arg19 : memref<!tpu.dma_semaphore, #tpu.memory_space<semaphore_mem>>) src(%arg12 : memref<3024x16xbf16, #tpu.memory_space<vmem>>) dst(%dma_wait3A_270 : memref<3024x16xbf16, #tpu.memory_space<hbm>>)
      } else {
      }
      %dma_start3A_195 = arith.constant 0 : i32
      %dma_start3A_196 = tpu.memref_slice %arg10[%dma_start3A_195] : memref<3040xi32, #tpu.memory_space<vmem>> -> memref<3024xi32, #tpu.memory_space<vmem>>
      %dma_start3A_197 = arith.constant 0 : i32
      %dma_start3A_198 = arith.constant 0 : i32
      %dma_start3A_199 = tpu.memref_slice %arg4[%dma_start3A_197, %dma_start3A_198] : memref<100000x16xbf16, #tpu.memory_space<hbm>> -> memref<100000x16xbf16, #tpu.memory_space<hbm>>
      tpu.enqueue_indirect_dma source(%dma_start3A_199 : memref<100000x16xbf16, #tpu.memory_space<hbm>>) target(%arg12 : memref<3024x16xbf16, #tpu.memory_space<vmem>>) offsets(%dma_start3A_196 : memref<3024xi32, #tpu.memory_space<vmem>>) semaphore(%arg15 : memref<!tpu.dma_semaphore, #tpu.memory_space<semaphore_mem>>)
      %add3A_200 = arith.constant 1 : i32
      %add3A_201 = arith.addi %add3A_144, %add3A_200 : i32
      %dma_wait3A_202 = arith.constant 0 : i32
      %dma_wait3A_203 = tpu.memref_slice %arg9[%dma_wait3A_202] : memref<3040xi32, #tpu.memory_space<vmem>> -> memref<3024xi32, #tpu.memory_space<vmem>>
      %dma_wait3A_204 = arith.constant 0 : i32
      %dma_wait3A_205 = tpu.memref_slice %arg5[%dma_wait3A_204] : memref<1354752xi32, #tpu.memory_space<hbm>> -> memref<3024xi32, #tpu.memory_space<hbm>>
      %dma_wait3A_206 = arith.constant 0 : i32
      %dma_wait3A_207 = tpu.memref_slice %arg5[%dma_wait3A_206] : memref<1354752xi32, #tpu.memory_space<hbm>> -> memref<3024xi32, #tpu.memory_space<hbm>>
      %dma_wait3A_208 = arith.constant 0 : i32
      %dma_wait3A_209 = tpu.memref_slice %arg9[%dma_wait3A_208] : memref<3040xi32, #tpu.memory_space<vmem>> -> memref<3024xi32, #tpu.memory_space<vmem>>
      tpu.wait_dma2 semaphore(%arg16 : memref<!tpu.dma_semaphore, #tpu.memory_space<semaphore_mem>>) src(%dma_wait3A_209 : memref<3024xi32, #tpu.memory_space<vmem>>) dst(%dma_wait3A_207 : memref<3024xi32, #tpu.memory_space<hbm>>)
      %mul3A_210 = arith.constant 112 : i32
      %mul3A_211 = arith.muli %add3A_201, %mul3A_210 : i32
      %dma_start3A_212 = tpu.memref_slice %arg7[%mul3A_211] : memref<1568xi32, #tpu.memory_space<vmem>> -> memref<112xi32, #tpu.memory_space<vmem>>
      %dma_start3A_213 = arith.constant 0 : i32
      %dma_start3A_214 = arith.constant 0 : i32
      %dma_start3A_215 = tpu.memref_slice %arg2[%dma_start3A_213, %dma_start3A_214] : memref<100000x32xi32, #tpu.memory_space<hbm>> -> memref<100000x32xi32, #tpu.memory_space<hbm>>
      tpu.enqueue_indirect_dma source(%dma_start3A_215 : memref<100000x32xi32, #tpu.memory_space<hbm>>) target(%arg8 : memref<112x32xi32, #tpu.memory_space<vmem>>) offsets(%dma_start3A_212 : memref<112xi32, #tpu.memory_space<vmem>>) semaphore(%arg13 : memref<!tpu.dma_semaphore, #tpu.memory_space<semaphore_mem>>)
      %dma_wait3A_216 = tpu.memref_slice %arg7[%mul3A_211] : memref<1568xi32, #tpu.memory_space<vmem>> -> memref<112xi32, #tpu.memory_space<vmem>>
      %dma_wait3A_217 = arith.constant 0 : i32
      %dma_wait3A_218 = arith.constant 0 : i32
      %dma_wait3A_219 = tpu.memref_slice %arg2[%dma_wait3A_217, %dma_wait3A_218] : memref<100000x32xi32, #tpu.memory_space<hbm>> -> memref<100000x32xi32, #tpu.memory_space<hbm>>
      tpu.wait_indirect_dma semaphore(%arg13 : memref<!tpu.dma_semaphore, #tpu.memory_space<semaphore_mem>>) src(%dma_wait3A_219 : memref<100000x32xi32, #tpu.memory_space<hbm>>) dst(%arg8 : memref<112x32xi32, #tpu.memory_space<vmem>>)
      %scan3A_220 = arith.constant 0 : i32
      %scan3A_221 = arith.constant 0 : i32
      %scan3A_222 = arith.constant 112 : i32
      %scan3A_223 = arith.addi %scan3A_221, %scan3A_222 : i32
      %scan3A_224 = arith.constant 4 : i32
      scf.for %scan3A_265 = %scan3A_221 to %scan3A_223 step %scan3A_224  : i32 {
        %get3A = arith.index_cast %scan3A_265 : i32 to index
        %get3A_266 = arith.constant 0 : index
        %get3A_267 = tpu.vector_load %arg8[%get3A, %get3A_266] {strides = array<i32>} : memref<112x32xi32, #tpu.memory_space<vmem>>, vector<16xi32>,
        %get3A_268 = arith.index_cast %scan3A_265 : i32 to index
        %get3A_269 = arith.constant 16 : index
        %get3A_270 = tpu.vector_load %arg8[%get3A_268, %get3A_269] {strides = array<i32>} : memref<112x32xi32, #tpu.memory_space<vmem>>, vector<16xi32>,
        %mul3A_271 = arith.constant 27 : i32
        %mul3A_272 = arith.muli %scan3A_265, %mul3A_271 : i32
        %swap3A = arith.index_cast %mul3A_272 : i32 to index
        %swap3A_273 = tpu.vector_load %arg9[%swap3A] {strides = array<i32>} : memref<3040xi32, #tpu.memory_space<vmem>>, vector<16xi32>,
        tpu.vector_store %arg9[%swap3A], %get3A_267 {strides = array<i32>} : memref<3040xi32, #tpu.memory_space<vmem>>, vector<16xi32>,
        %mul3A_274 = arith.constant 27 : i32
        %mul3A_275 = arith.muli %scan3A_265, %mul3A_274 : i32
        %add3A_276 = arith.constant 16 : i32
        %add3A_277 = arith.addi %mul3A_275, %add3A_276 : i32
        %add3A_278 = vector.broadcast %add3A_277 : i32 to vector<16xi32>
        %add3A_279 = arith.addi %add3A_278, %iota3A : vector<16xi32>
        tpu.vector_store_idx %arg9[%add3A_279], %get3A_270 masked %lt3A_4 : memref<3040xi32, #tpu.memory_space<vmem>>[vector<16xi32>], vector<16xi32>, vector<16xi1>
        %scan3A_280 = arith.constant 1 : i32
        %scan3A_281 = arith.addi %scan3A_265, %scan3A_280 : i32
        %get3A_282 = arith.index_cast %scan3A_281 : i32 to index
        %get3A_283 = arith.constant 0 : index
        %get3A_284 = tpu.vector_load %arg8[%get3A_282, %get3A_283] {strides = array<i32>} : memref<112x32xi32, #tpu.memory_space<vmem>>, vector<16xi32>,
        %get3A_285 = arith.index_cast %scan3A_281 : i32 to index
        %get3A_286 = arith.constant 16 : index
        %get3A_287 = tpu.vector_load %arg8[%get3A_285, %get3A_286] {strides = array<i32>} : memref<112x32xi32, #tpu.memory_space<vmem>>, vector<16xi32>,
        %mul3A_288 = arith.constant 27 : i32
        %mul3A_289 = arith.muli %scan3A_281, %mul3A_288 : i32
        %swap3A_290 = arith.index_cast %mul3A_289 : i32 to index
        %swap3A_291 = tpu.vector_load %arg9[%swap3A_290] {strides = array<i32>} : memref<3040xi32, #tpu.memory_space<vmem>>, vector<16xi32>,
        tpu.vector_store %arg9[%swap3A_290], %get3A_284 {strides = array<i32>} : memref<3040xi32, #tpu.memory_space<vmem>>, vector<16xi32>,
        %mul3A_292 = arith.constant 27 : i32
        %mul3A_293 = arith.muli %scan3A_281, %mul3A_292 : i32
        %add3A_294 = arith.constant 16 : i32
        %add3A_295 = arith.addi %mul3A_293, %add3A_294 : i32
        %add3A_296 = vector.broadcast %add3A_295 : i32 to vector<16xi32>
        %add3A_297 = arith.addi %add3A_296, %iota3A : vector<16xi32>
        tpu.vector_store_idx %arg9[%add3A_297], %get3A_287 masked %lt3A_4 : memref<3040xi32, #tpu.memory_space<vmem>>[vector<16xi32>], vector<16xi32>, vector<16xi1>
        %scan3A_298 = arith.constant 2 : i32
        %scan3A_299 = arith.addi %scan3A_265, %scan3A_298 : i32
        %get3A_300 = arith.index_cast %scan3A_299 : i32 to index
        %get3A_301 = arith.constant 0 : index
        %get3A_302 = tpu.vector_load %arg8[%get3A_300, %get3A_301] {strides = array<i32>} : memref<112x32xi32, #tpu.memory_space<vmem>>, vector<16xi32>,
        %get3A_303 = arith.index_cast %scan3A_299 : i32 to index
        %get3A_304 = arith.constant 16 : index
        %get3A_305 = tpu.vector_load %arg8[%get3A_303, %get3A_304] {strides = array<i32>} : memref<112x32xi32, #tpu.memory_space<vmem>>, vector<16xi32>,
        %mul3A_306 = arith.constant 27 : i32
        %mul3A_307 = arith.muli %scan3A_299, %mul3A_306 : i32
        %swap3A_308 = arith.index_cast %mul3A_307 : i32 to index
        %swap3A_309 = tpu.vector_load %arg9[%swap3A_308] {strides = array<i32>} : memref<3040xi32, #tpu.memory_space<vmem>>, vector<16xi32>,
        tpu.vector_store %arg9[%swap3A_308], %get3A_302 {strides = array<i32>} : memref<3040xi32, #tpu.memory_space<vmem>>, vector<16xi32>,
        %mul3A_310 = arith.constant 27 : i32
        %mul3A_311 = arith.muli %scan3A_299, %mul3A_310 : i32
        %add3A_312 = arith.constant 16 : i32
        %add3A_313 = arith.addi %mul3A_311, %add3A_312 : i32
        %add3A_314 = vector.broadcast %add3A_313 : i32 to vector<16xi32>
        %add3A_315 = arith.addi %add3A_314, %iota3A : vector<16xi32>
        tpu.vector_store_idx %arg9[%add3A_315], %get3A_305 masked %lt3A_4 : memref<3040xi32, #tpu.memory_space<vmem>>[vector<16xi32>], vector<16xi32>, vector<16xi1>
        %scan3A_316 = arith.constant 3 : i32
        %scan3A_317 = arith.addi %scan3A_265, %scan3A_316 : i32
        %get3A_318 = arith.index_cast %scan3A_317 : i32 to index
        %get3A_319 = arith.constant 0 : index
        %get3A_320 = tpu.vector_load %arg8[%get3A_318, %get3A_319] {strides = array<i32>} : memref<112x32xi32, #tpu.memory_space<vmem>>, vector<16xi32>,
        %get3A_321 = arith.index_cast %scan3A_317 : i32 to index
        %get3A_322 = arith.constant 16 : index
        %get3A_323 = tpu.vector_load %arg8[%get3A_321, %get3A_322] {strides = array<i32>} : memref<112x32xi32, #tpu.memory_space<vmem>>, vector<16xi32>,
        %mul3A_324 = arith.constant 27 : i32
        %mul3A_325 = arith.muli %scan3A_317, %mul3A_324 : i32
        %swap3A_326 = arith.index_cast %mul3A_325 : i32 to index
        %swap3A_327 = tpu.vector_load %arg9[%swap3A_326] {strides = array<i32>} : memref<3040xi32, #tpu.memory_space<vmem>>, vector<16xi32>,
        tpu.vector_store %arg9[%swap3A_326], %get3A_320 {strides = array<i32>} : memref<3040xi32, #tpu.memory_space<vmem>>, vector<16xi32>,
        %mul3A_328 = arith.constant 27 : i32
        %mul3A_329 = arith.muli %scan3A_317, %mul3A_328 : i32
        %add3A_330 = arith.constant 16 : i32
        %add3A_331 = arith.addi %mul3A_329, %add3A_330 : i32
        %add3A_332 = vector.broadcast %add3A_331 : i32 to vector<16xi32>
        %add3A_333 = arith.addi %add3A_332, %iota3A : vector<16xi32>
        tpu.vector_store_idx %arg9[%add3A_333], %get3A_323 masked %lt3A_4 : memref<3040xi32, #tpu.memory_space<vmem>>[vector<16xi32>], vector<16xi32>, vector<16xi1>
      }
      %scan3A_225 = arith.constant 112 : i32
      %mul3A_226 = arith.constant 112 : i32
      %mul3A_227 = arith.muli %add3A_201, %mul3A_226 : i32
      %add3A_228 = arith.addi %mul3A_2, %mul3A_227 : i32
      %mul3A_229 = arith.constant 27 : i32
      %mul3A_230 = arith.muli %add3A_228, %mul3A_229 : i32
      %dma_start3A_231 = arith.constant 0 : i32
      %dma_start3A_232 = tpu.memref_slice %arg9[%dma_start3A_231] : memref<3040xi32, #tpu.memory_space<vmem>> -> memref<3024xi32, #tpu.memory_space<vmem>>
      %dma_start3A_233 = tpu.memref_slice %arg5[%mul3A_230] : memref<1354752xi32, #tpu.memory_space<hbm>> -> memref<3024xi32, #tpu.memory_space<hbm>>
      %dma_start3A_234 = tpu.memref_slice %arg5[%mul3A_230] : memref<1354752xi32, #tpu.memory_space<hbm>> -> memref<3024xi32, #tpu.memory_space<hbm>>
      %dma_start3A_235 = arith.constant 0 : i32
      %dma_start3A_236 = tpu.memref_slice %arg9[%dma_start3A_235] : memref<3040xi32, #tpu.memory_space<vmem>> -> memref<3024xi32, #tpu.memory_space<vmem>>
      tpu.enqueue_dma source(%dma_start3A_236 : memref<3024xi32, #tpu.memory_space<vmem>>) target(%dma_start3A_234 : memref<3024xi32, #tpu.memory_space<hbm>>) target_semaphore(%arg16 : memref<!tpu.dma_semaphore, #tpu.memory_space<semaphore_mem>>)
      %dma_wait3A_237 = arith.constant 0 : i32
      %dma_wait3A_238 = arith.constant 0 : i32
      %dma_wait3A_239 = tpu.memref_slice %arg6[%dma_wait3A_237, %dma_wait3A_238] : memref<1354752x16xbf16, #tpu.memory_space<hbm>> -> memref<3024x16xbf16, #tpu.memory_space<hbm>>
      %dma_wait3A_240 = arith.constant 0 : i32
      %dma_wait3A_241 = arith.constant 0 : i32
      %dma_wait3A_242 = tpu.memref_slice %arg6[%dma_wait3A_240, %dma_wait3A_241] : memref<1354752x16xbf16, #tpu.memory_space<hbm>> -> memref<3024x16xbf16, #tpu.memory_space<hbm>>
      tpu.wait_dma2 semaphore(%arg15 : memref<!tpu.dma_semaphore, #tpu.memory_space<semaphore_mem>>) src(%arg12 : memref<3024x16xbf16, #tpu.memory_space<vmem>>) dst(%dma_wait3A_242 : memref<3024x16xbf16, #tpu.memory_space<hbm>>)
      %sub3A_243 = arith.constant 1 : i32
      %sub3A_244 = arith.subi %add3A_201, %sub3A_243 : i32
      %mul3A_245 = arith.constant 112 : i32
      %mul3A_246 = arith.muli %sub3A_244, %mul3A_245 : i32
      %add3A_247 = arith.addi %mul3A_2, %mul3A_246 : i32
      %mul3A_248 = arith.constant 27 : i32
      %mul3A_249 = arith.muli %add3A_247, %mul3A_248 : i32
      %dma_start3A_250 = arith.constant 0 : i32
      %dma_start3A_251 = tpu.memref_slice %arg6[%mul3A_249, %dma_start3A_250] : memref<1354752x16xbf16, #tpu.memory_space<hbm>> -> memref<3024x16xbf16, #tpu.memory_space<hbm>>
      %dma_start3A_252 = arith.constant 0 : i32
      %dma_start3A_253 = tpu.memref_slice %arg6[%mul3A_249, %dma_start3A_252] : memref<1354752x16xbf16, #tpu.memory_space<hbm>> -> memref<3024x16xbf16, #tpu.memory_space<hbm>>
      tpu.enqueue_dma source(%arg12 : memref<3024x16xbf16, #tpu.memory_space<vmem>>) target(%dma_start3A_253 : memref<3024x16xbf16, #tpu.memory_space<hbm>>) target_semaphore(%arg19 : memref<!tpu.dma_semaphore, #tpu.memory_space<semaphore_mem>>)
      %dma_wait3A_254 = arith.constant 0 : i32
      %dma_wait3A_255 = arith.constant 0 : i32
      %dma_wait3A_256 = tpu.memref_slice %arg6[%dma_wait3A_254, %dma_wait3A_255] : memref<1354752x16xbf16, #tpu.memory_space<hbm>> -> memref<3024x16xbf16, #tpu.memory_space<hbm>>
      %dma_wait3A_257 = arith.constant 0 : i32
      %dma_wait3A_258 = arith.constant 0 : i32
      %dma_wait3A_259 = tpu.memref_slice %arg6[%dma_wait3A_257, %dma_wait3A_258] : memref<1354752x16xbf16, #tpu.memory_space<hbm>> -> memref<3024x16xbf16, #tpu.memory_space<hbm>>
      tpu.wait_dma2 semaphore(%arg18 : memref<!tpu.dma_semaphore, #tpu.memory_space<semaphore_mem>>) src(%arg11 : memref<3024x16xbf16, #tpu.memory_space<vmem>>) dst(%dma_wait3A_259 : memref<3024x16xbf16, #tpu.memory_space<hbm>>)
      %dma_start3A_260 = arith.constant 0 : i32
      %dma_start3A_261 = tpu.memref_slice %arg9[%dma_start3A_260] : memref<3040xi32, #tpu.memory_space<vmem>> -> memref<3024xi32, #tpu.memory_space<vmem>>
      %dma_start3A_262 = arith.constant 0 : i32
      %dma_start3A_263 = arith.constant 0 : i32
      %dma_start3A_264 = tpu.memref_slice %arg4[%dma_start3A_262, %dma_start3A_263] : memref<100000x16xbf16, #tpu.memory_space<hbm>> -> memref<100000x16xbf16, #tpu.memory_space<hbm>>
      tpu.enqueue_indirect_dma source(%dma_start3A_264 : memref<100000x16xbf16, #tpu.memory_space<hbm>>) target(%arg11 : memref<3024x16xbf16, #tpu.memory_space<vmem>>) offsets(%dma_start3A_261 : memref<3024xi32, #tpu.memory_space<vmem>>) semaphore(%arg14 : memref<!tpu.dma_semaphore, #tpu.memory_space<semaphore_mem>>)
    }
    %scan3A_38 = arith.constant 6 : i32
    %dma_wait3A_39 = arith.constant 0 : i32
    %dma_wait3A_40 = tpu.memref_slice %arg10[%dma_wait3A_39] : memref<3040xi32, #tpu.memory_space<vmem>> -> memref<3024xi32, #tpu.memory_space<vmem>>
    %dma_wait3A_41 = arith.constant 0 : i32
    %dma_wait3A_42 = tpu.memref_slice %arg5[%dma_wait3A_41] : memref<1354752xi32, #tpu.memory_space<hbm>> -> memref<3024xi32, #tpu.memory_space<hbm>>
    %dma_wait3A_43 = arith.constant 0 : i32
    %dma_wait3A_44 = tpu.memref_slice %arg5[%dma_wait3A_43] : memref<1354752xi32, #tpu.memory_space<hbm>> -> memref<3024xi32, #tpu.memory_space<hbm>>
    %dma_wait3A_45 = arith.constant 0 : i32
    %dma_wait3A_46 = tpu.memref_slice %arg10[%dma_wait3A_45] : memref<3040xi32, #tpu.memory_space<vmem>> -> memref<3024xi32, #tpu.memory_space<vmem>>
    tpu.wait_dma2 semaphore(%arg17 : memref<!tpu.dma_semaphore, #tpu.memory_space<semaphore_mem>>) src(%dma_wait3A_46 : memref<3024xi32, #tpu.memory_space<vmem>>) dst(%dma_wait3A_44 : memref<3024xi32, #tpu.memory_space<hbm>>)
    %dma_start3A_47 = arith.constant 1456 : i32
    %dma_start3A_48 = tpu.memref_slice %arg7[%dma_start3A_47] : memref<1568xi32, #tpu.memory_space<vmem>> -> memref<112xi32, #tpu.memory_space<vmem>>
    %dma_start3A_49 = arith.constant 0 : i32
    %dma_start3A_50 = arith.constant 0 : i32
    %dma_start3A_51 = tpu.memref_slice %arg2[%dma_start3A_49, %dma_start3A_50] : memref<100000x32xi32, #tpu.memory_space<hbm>> -> memref<100000x32xi32, #tpu.memory_space<hbm>>
    tpu.enqueue_indirect_dma source(%dma_start3A_51 : memref<100000x32xi32, #tpu.memory_space<hbm>>) target(%arg8 : memref<112x32xi32, #tpu.memory_space<vmem>>) offsets(%dma_start3A_48 : memref<112xi32, #tpu.memory_space<vmem>>) semaphore(%arg13 : memref<!tpu.dma_semaphore, #tpu.memory_space<semaphore_mem>>)
    %dma_wait3A_52 = arith.constant 1456 : i32
    %dma_wait3A_53 = tpu.memref_slice %arg7[%dma_wait3A_52] : memref<1568xi32, #tpu.memory_space<vmem>> -> memref<112xi32, #tpu.memory_space<vmem>>
    %dma_wait3A_54 = arith.constant 0 : i32
    %dma_wait3A_55 = arith.constant 0 : i32
    %dma_wait3A_56 = tpu.memref_slice %arg2[%dma_wait3A_54, %dma_wait3A_55] : memref<100000x32xi32, #tpu.memory_space<hbm>> -> memref<100000x32xi32, #tpu.memory_space<hbm>>
    tpu.wait_indirect_dma semaphore(%arg13 : memref<!tpu.dma_semaphore, #tpu.memory_space<semaphore_mem>>) src(%dma_wait3A_56 : memref<100000x32xi32, #tpu.memory_space<hbm>>) dst(%arg8 : memref<112x32xi32, #tpu.memory_space<vmem>>)
    %scan3A_57 = arith.constant 0 : i32
    %scan3A_58 = arith.constant 0 : i32
    %scan3A_59 = arith.constant 112 : i32
    %scan3A_60 = arith.addi %scan3A_58, %scan3A_59 : i32
    %scan3A_61 = arith.constant 4 : i32
    scf.for %scan3A_140 = %scan3A_58 to %scan3A_60 step %scan3A_61  : i32 {
      %get3A = arith.index_cast %scan3A_140 : i32 to index
      %get3A_141 = arith.constant 0 : index
      %get3A_142 = tpu.vector_load %arg8[%get3A, %get3A_141] {strides = array<i32>} : memref<112x32xi32, #tpu.memory_space<vmem>>, vector<16xi32>,
      %get3A_143 = arith.index_cast %scan3A_140 : i32 to index
      %get3A_144 = arith.constant 16 : index
      %get3A_145 = tpu.vector_load %arg8[%get3A_143, %get3A_144] {strides = array<i32>} : memref<112x32xi32, #tpu.memory_space<vmem>>, vector<16xi32>,
      %mul3A_146 = arith.constant 27 : i32
      %mul3A_147 = arith.muli %scan3A_140, %mul3A_146 : i32
      %swap3A = arith.index_cast %mul3A_147 : i32 to index
      %swap3A_148 = tpu.vector_load %arg10[%swap3A] {strides = array<i32>} : memref<3040xi32, #tpu.memory_space<vmem>>, vector<16xi32>,
      tpu.vector_store %arg10[%swap3A], %get3A_142 {strides = array<i32>} : memref<3040xi32, #tpu.memory_space<vmem>>, vector<16xi32>,
      %mul3A_149 = arith.constant 27 : i32
      %mul3A_150 = arith.muli %scan3A_140, %mul3A_149 : i32
      %add3A_151 = arith.constant 16 : i32
      %add3A_152 = arith.addi %mul3A_150, %add3A_151 : i32
      %add3A_153 = vector.broadcast %add3A_152 : i32 to vector<16xi32>
      %add3A_154 = arith.addi %add3A_153, %iota3A : vector<16xi32>
      tpu.vector_store_idx %arg10[%add3A_154], %get3A_145 masked %lt3A_4 : memref<3040xi32, #tpu.memory_space<vmem>>[vector<16xi32>], vector<16xi32>, vector<16xi1>
      %scan3A_155 = arith.constant 1 : i32
      %scan3A_156 = arith.addi %scan3A_140, %scan3A_155 : i32
      %get3A_157 = arith.index_cast %scan3A_156 : i32 to index
      %get3A_158 = arith.constant 0 : index
      %get3A_159 = tpu.vector_load %arg8[%get3A_157, %get3A_158] {strides = array<i32>} : memref<112x32xi32, #tpu.memory_space<vmem>>, vector<16xi32>,
      %get3A_160 = arith.index_cast %scan3A_156 : i32 to index
      %get3A_161 = arith.constant 16 : index
      %get3A_162 = tpu.vector_load %arg8[%get3A_160, %get3A_161] {strides = array<i32>} : memref<112x32xi32, #tpu.memory_space<vmem>>, vector<16xi32>,
      %mul3A_163 = arith.constant 27 : i32
      %mul3A_164 = arith.muli %scan3A_156, %mul3A_163 : i32
      %swap3A_165 = arith.index_cast %mul3A_164 : i32 to index
      %swap3A_166 = tpu.vector_load %arg10[%swap3A_165] {strides = array<i32>} : memref<3040xi32, #tpu.memory_space<vmem>>, vector<16xi32>,
      tpu.vector_store %arg10[%swap3A_165], %get3A_159 {strides = array<i32>} : memref<3040xi32, #tpu.memory_space<vmem>>, vector<16xi32>,
      %mul3A_167 = arith.constant 27 : i32
      %mul3A_168 = arith.muli %scan3A_156, %mul3A_167 : i32
      %add3A_169 = arith.constant 16 : i32
      %add3A_170 = arith.addi %mul3A_168, %add3A_169 : i32
      %add3A_171 = vector.broadcast %add3A_170 : i32 to vector<16xi32>
      %add3A_172 = arith.addi %add3A_171, %iota3A : vector<16xi32>
      tpu.vector_store_idx %arg10[%add3A_172], %get3A_162 masked %lt3A_4 : memref<3040xi32, #tpu.memory_space<vmem>>[vector<16xi32>], vector<16xi32>, vector<16xi1>
      %scan3A_173 = arith.constant 2 : i32
      %scan3A_174 = arith.addi %scan3A_140, %scan3A_173 : i32
      %get3A_175 = arith.index_cast %scan3A_174 : i32 to index
      %get3A_176 = arith.constant 0 : index
      %get3A_177 = tpu.vector_load %arg8[%get3A_175, %get3A_176] {strides = array<i32>} : memref<112x32xi32, #tpu.memory_space<vmem>>, vector<16xi32>,
      %get3A_178 = arith.index_cast %scan3A_174 : i32 to index
      %get3A_179 = arith.constant 16 : index
      %get3A_180 = tpu.vector_load %arg8[%get3A_178, %get3A_179] {strides = array<i32>} : memref<112x32xi32, #tpu.memory_space<vmem>>, vector<16xi32>,
      %mul3A_181 = arith.constant 27 : i32
      %mul3A_182 = arith.muli %scan3A_174, %mul3A_181 : i32
      %swap3A_183 = arith.index_cast %mul3A_182 : i32 to index
      %swap3A_184 = tpu.vector_load %arg10[%swap3A_183] {strides = array<i32>} : memref<3040xi32, #tpu.memory_space<vmem>>, vector<16xi32>,
      tpu.vector_store %arg10[%swap3A_183], %get3A_177 {strides = array<i32>} : memref<3040xi32, #tpu.memory_space<vmem>>, vector<16xi32>,
      %mul3A_185 = arith.constant 27 : i32
      %mul3A_186 = arith.muli %scan3A_174, %mul3A_185 : i32
      %add3A_187 = arith.constant 16 : i32
      %add3A_188 = arith.addi %mul3A_186, %add3A_187 : i32
      %add3A_189 = vector.broadcast %add3A_188 : i32 to vector<16xi32>
      %add3A_190 = arith.addi %add3A_189, %iota3A : vector<16xi32>
      tpu.vector_store_idx %arg10[%add3A_190], %get3A_180 masked %lt3A_4 : memref<3040xi32, #tpu.memory_space<vmem>>[vector<16xi32>], vector<16xi32>, vector<16xi1>
      %scan3A_191 = arith.constant 3 : i32
      %scan3A_192 = arith.addi %scan3A_140, %scan3A_191 : i32
      %get3A_193 = arith.index_cast %scan3A_192 : i32 to index
      %get3A_194 = arith.constant 0 : index
      %get3A_195 = tpu.vector_load %arg8[%get3A_193, %get3A_194] {strides = array<i32>} : memref<112x32xi32, #tpu.memory_space<vmem>>, vector<16xi32>,
      %get3A_196 = arith.index_cast %scan3A_192 : i32 to index
      %get3A_197 = arith.constant 16 : index
      %get3A_198 = tpu.vector_load %arg8[%get3A_196, %get3A_197] {strides = array<i32>} : memref<112x32xi32, #tpu.memory_space<vmem>>, vector<16xi32>,
      %mul3A_199 = arith.constant 27 : i32
      %mul3A_200 = arith.muli %scan3A_192, %mul3A_199 : i32
      %swap3A_201 = arith.index_cast %mul3A_200 : i32 to index
      %swap3A_202 = tpu.vector_load %arg10[%swap3A_201] {strides = array<i32>} : memref<3040xi32, #tpu.memory_space<vmem>>, vector<16xi32>,
      tpu.vector_store %arg10[%swap3A_201], %get3A_195 {strides = array<i32>} : memref<3040xi32, #tpu.memory_space<vmem>>, vector<16xi32>,
      %mul3A_203 = arith.constant 27 : i32
      %mul3A_204 = arith.muli %scan3A_192, %mul3A_203 : i32
      %add3A_205 = arith.constant 16 : i32
      %add3A_206 = arith.addi %mul3A_204, %add3A_205 : i32
      %add3A_207 = vector.broadcast %add3A_206 : i32 to vector<16xi32>
      %add3A_208 = arith.addi %add3A_207, %iota3A : vector<16xi32>
      tpu.vector_store_idx %arg10[%add3A_208], %get3A_198 masked %lt3A_4 : memref<3040xi32, #tpu.memory_space<vmem>>[vector<16xi32>], vector<16xi32>, vector<16xi1>
    }
    %scan3A_62 = arith.constant 112 : i32
    %add3A_63 = arith.constant 1456 : i32
    %add3A_64 = arith.addi %mul3A_2, %add3A_63 : i32
    %mul3A_65 = arith.constant 27 : i32
    %mul3A_66 = arith.muli %add3A_64, %mul3A_65 : i32
    %dma_start3A_67 = arith.constant 0 : i32
    %dma_start3A_68 = tpu.memref_slice %arg10[%dma_start3A_67] : memref<3040xi32, #tpu.memory_space<vmem>> -> memref<3024xi32, #tpu.memory_space<vmem>>
    %dma_start3A_69 = tpu.memref_slice %arg5[%mul3A_66] : memref<1354752xi32, #tpu.memory_space<hbm>> -> memref<3024xi32, #tpu.memory_space<hbm>>
    %dma_start3A_70 = tpu.memref_slice %arg5[%mul3A_66] : memref<1354752xi32, #tpu.memory_space<hbm>> -> memref<3024xi32, #tpu.memory_space<hbm>>
    %dma_start3A_71 = arith.constant 0 : i32
    %dma_start3A_72 = tpu.memref_slice %arg10[%dma_start3A_71] : memref<3040xi32, #tpu.memory_space<vmem>> -> memref<3024xi32, #tpu.memory_space<vmem>>
    tpu.enqueue_dma source(%dma_start3A_72 : memref<3024xi32, #tpu.memory_space<vmem>>) target(%dma_start3A_70 : memref<3024xi32, #tpu.memory_space<hbm>>) target_semaphore(%arg17 : memref<!tpu.dma_semaphore, #tpu.memory_space<semaphore_mem>>)
    %dma_wait3A_73 = arith.constant 0 : i32
    %dma_wait3A_74 = arith.constant 0 : i32
    %dma_wait3A_75 = tpu.memref_slice %arg6[%dma_wait3A_73, %dma_wait3A_74] : memref<1354752x16xbf16, #tpu.memory_space<hbm>> -> memref<3024x16xbf16, #tpu.memory_space<hbm>>
    %dma_wait3A_76 = arith.constant 0 : i32
    %dma_wait3A_77 = arith.constant 0 : i32
    %dma_wait3A_78 = tpu.memref_slice %arg6[%dma_wait3A_76, %dma_wait3A_77] : memref<1354752x16xbf16, #tpu.memory_space<hbm>> -> memref<3024x16xbf16, #tpu.memory_space<hbm>>
    tpu.wait_dma2 semaphore(%arg14 : memref<!tpu.dma_semaphore, #tpu.memory_space<semaphore_mem>>) src(%arg11 : memref<3024x16xbf16, #tpu.memory_space<vmem>>) dst(%dma_wait3A_78 : memref<3024x16xbf16, #tpu.memory_space<hbm>>)
    %add3A_79 = arith.constant 1344 : i32
    %add3A_80 = arith.addi %mul3A_2, %add3A_79 : i32
    %mul3A_81 = arith.constant 27 : i32
    %mul3A_82 = arith.muli %add3A_80, %mul3A_81 : i32
    %dma_start3A_83 = arith.constant 0 : i32
    %dma_start3A_84 = tpu.memref_slice %arg6[%mul3A_82, %dma_start3A_83] : memref<1354752x16xbf16, #tpu.memory_space<hbm>> -> memref<3024x16xbf16, #tpu.memory_space<hbm>>
    %dma_start3A_85 = arith.constant 0 : i32
    %dma_start3A_86 = tpu.memref_slice %arg6[%mul3A_82, %dma_start3A_85] : memref<1354752x16xbf16, #tpu.memory_space<hbm>> -> memref<3024x16xbf16, #tpu.memory_space<hbm>>
    tpu.enqueue_dma source(%arg11 : memref<3024x16xbf16, #tpu.memory_space<vmem>>) target(%dma_start3A_86 : memref<3024x16xbf16, #tpu.memory_space<hbm>>) target_semaphore(%arg18 : memref<!tpu.dma_semaphore, #tpu.memory_space<semaphore_mem>>)
    %dma_wait3A_87 = arith.constant 0 : i32
    %dma_wait3A_88 = arith.constant 0 : i32
    %dma_wait3A_89 = tpu.memref_slice %arg6[%dma_wait3A_87, %dma_wait3A_88] : memref<1354752x16xbf16, #tpu.memory_space<hbm>> -> memref<3024x16xbf16, #tpu.memory_space<hbm>>
    %dma_wait3A_90 = arith.constant 0 : i32
    %dma_wait3A_91 = arith.constant 0 : i32
    %dma_wait3A_92 = tpu.memref_slice %arg6[%dma_wait3A_90, %dma_wait3A_91] : memref<1354752x16xbf16, #tpu.memory_space<hbm>> -> memref<3024x16xbf16, #tpu.memory_space<hbm>>
    tpu.wait_dma2 semaphore(%arg19 : memref<!tpu.dma_semaphore, #tpu.memory_space<semaphore_mem>>) src(%arg12 : memref<3024x16xbf16, #tpu.memory_space<vmem>>) dst(%dma_wait3A_92 : memref<3024x16xbf16, #tpu.memory_space<hbm>>)
    %dma_start3A_93 = arith.constant 0 : i32
    %dma_start3A_94 = tpu.memref_slice %arg10[%dma_start3A_93] : memref<3040xi32, #tpu.memory_space<vmem>> -> memref<3024xi32, #tpu.memory_space<vmem>>
    %dma_start3A_95 = arith.constant 0 : i32
    %dma_start3A_96 = arith.constant 0 : i32
    %dma_start3A_97 = tpu.memref_slice %arg4[%dma_start3A_95, %dma_start3A_96] : memref<100000x16xbf16, #tpu.memory_space<hbm>> -> memref<100000x16xbf16, #tpu.memory_space<hbm>>
    tpu.enqueue_indirect_dma source(%dma_start3A_97 : memref<100000x16xbf16, #tpu.memory_space<hbm>>) target(%arg12 : memref<3024x16xbf16, #tpu.memory_space<vmem>>) offsets(%dma_start3A_94 : memref<3024xi32, #tpu.memory_space<vmem>>) semaphore(%arg15 : memref<!tpu.dma_semaphore, #tpu.memory_space<semaphore_mem>>)
    %dma_wait3A_98 = arith.constant 0 : i32
    %dma_wait3A_99 = arith.constant 0 : i32
    %dma_wait3A_100 = tpu.memref_slice %arg6[%dma_wait3A_98, %dma_wait3A_99] : memref<1354752x16xbf16, #tpu.memory_space<hbm>> -> memref<3024x16xbf16, #tpu.memory_space<hbm>>
    %dma_wait3A_101 = arith.constant 0 : i32
    %dma_wait3A_102 = arith.constant 0 : i32
    %dma_wait3A_103 = tpu.memref_slice %arg6[%dma_wait3A_101, %dma_wait3A_102] : memref<1354752x16xbf16, #tpu.memory_space<hbm>> -> memref<3024x16xbf16, #tpu.memory_space<hbm>>
    tpu.wait_dma2 semaphore(%arg15 : memref<!tpu.dma_semaphore, #tpu.memory_space<semaphore_mem>>) src(%arg12 : memref<3024x16xbf16, #tpu.memory_space<vmem>>) dst(%dma_wait3A_103 : memref<3024x16xbf16, #tpu.memory_space<hbm>>)
    %add3A_104 = arith.constant 1456 : i32
    %add3A_105 = arith.addi %mul3A_2, %add3A_104 : i32
    %mul3A_106 = arith.constant 27 : i32
    %mul3A_107 = arith.muli %add3A_105, %mul3A_106 : i32
    %dma_start3A_108 = arith.constant 0 : i32
    %dma_start3A_109 = tpu.memref_slice %arg6[%mul3A_107, %dma_start3A_108] : memref<1354752x16xbf16, #tpu.memory_space<hbm>> -> memref<3024x16xbf16, #tpu.memory_space<hbm>>
    %dma_start3A_110 = arith.constant 0 : i32
    %dma_start3A_111 = tpu.memref_slice %arg6[%mul3A_107, %dma_start3A_110] : memref<1354752x16xbf16, #tpu.memory_space<hbm>> -> memref<3024x16xbf16, #tpu.memory_space<hbm>>
    tpu.enqueue_dma source(%arg12 : memref<3024x16xbf16, #tpu.memory_space<vmem>>) target(%dma_start3A_111 : memref<3024x16xbf16, #tpu.memory_space<hbm>>) target_semaphore(%arg19 : memref<!tpu.dma_semaphore, #tpu.memory_space<semaphore_mem>>)
    %dma_wait3A_112 = arith.constant 0 : i32
    %dma_wait3A_113 = arith.constant 0 : i32
    %dma_wait3A_114 = tpu.memref_slice %arg6[%dma_wait3A_112, %dma_wait3A_113] : memref<1354752x16xbf16, #tpu.memory_space<hbm>> -> memref<3024x16xbf16, #tpu.memory_space<hbm>>
    %dma_wait3A_115 = arith.constant 0 : i32
    %dma_wait3A_116 = arith.constant 0 : i32
    %dma_wait3A_117 = tpu.memref_slice %arg6[%dma_wait3A_115, %dma_wait3A_116] : memref<1354752x16xbf16, #tpu.memory_space<hbm>> -> memref<3024x16xbf16, #tpu.memory_space<hbm>>
    tpu.wait_dma2 semaphore(%arg18 : memref<!tpu.dma_semaphore, #tpu.memory_space<semaphore_mem>>) src(%arg11 : memref<3024x16xbf16, #tpu.memory_space<vmem>>) dst(%dma_wait3A_117 : memref<3024x16xbf16, #tpu.memory_space<hbm>>)
    %dma_wait3A_118 = arith.constant 0 : i32
    %dma_wait3A_119 = arith.constant 0 : i32
    %dma_wait3A_120 = tpu.memref_slice %arg6[%dma_wait3A_118, %dma_wait3A_119] : memref<1354752x16xbf16, #tpu.memory_space<hbm>> -> memref<3024x16xbf16, #tpu.memory_space<hbm>>
    %dma_wait3A_121 = arith.constant 0 : i32
    %dma_wait3A_122 = arith.constant 0 : i32
    %dma_wait3A_123 = tpu.memref_slice %arg6[%dma_wait3A_121, %dma_wait3A_122] : memref<1354752x16xbf16, #tpu.memory_space<hbm>> -> memref<3024x16xbf16, #tpu.memory_space<hbm>>
    tpu.wait_dma2 semaphore(%arg19 : memref<!tpu.dma_semaphore, #tpu.memory_space<semaphore_mem>>) src(%arg12 : memref<3024x16xbf16, #tpu.memory_space<vmem>>) dst(%dma_wait3A_123 : memref<3024x16xbf16, #tpu.memory_space<hbm>>)
    %dma_wait3A_124 = arith.constant 0 : i32
    %dma_wait3A_125 = tpu.memref_slice %arg9[%dma_wait3A_124] : memref<3040xi32, #tpu.memory_space<vmem>> -> memref<3024xi32, #tpu.memory_space<vmem>>
    %dma_wait3A_126 = arith.constant 0 : i32
    %dma_wait3A_127 = tpu.memref_slice %arg5[%dma_wait3A_126] : memref<1354752xi32, #tpu.memory_space<hbm>> -> memref<3024xi32, #tpu.memory_space<hbm>>
    %dma_wait3A_128 = arith.constant 0 : i32
    %dma_wait3A_129 = tpu.memref_slice %arg5[%dma_wait3A_128] : memref<1354752xi32, #tpu.memory_space<hbm>> -> memref<3024xi32, #tpu.memory_space<hbm>>
    %dma_wait3A_130 = arith.constant 0 : i32
    %dma_wait3A_131 = tpu.memref_slice %arg9[%dma_wait3A_130] : memref<3040xi32, #tpu.memory_space<vmem>> -> memref<3024xi32, #tpu.memory_space<vmem>>
    tpu.wait_dma2 semaphore(%arg16 : memref<!tpu.dma_semaphore, #tpu.memory_space<semaphore_mem>>) src(%dma_wait3A_131 : memref<3024xi32, #tpu.memory_space<vmem>>) dst(%dma_wait3A_129 : memref<3024xi32, #tpu.memory_space<hbm>>)
    %dma_wait3A_132 = arith.constant 0 : i32
    %dma_wait3A_133 = tpu.memref_slice %arg10[%dma_wait3A_132] : memref<3040xi32, #tpu.memory_space<vmem>> -> memref<3024xi32, #tpu.memory_space<vmem>>
    %dma_wait3A_134 = arith.constant 0 : i32
    %dma_wait3A_135 = tpu.memref_slice %arg5[%dma_wait3A_134] : memref<1354752xi32, #tpu.memory_space<hbm>> -> memref<3024xi32, #tpu.memory_space<hbm>>
    %dma_wait3A_136 = arith.constant 0 : i32
    %dma_wait3A_137 = tpu.memref_slice %arg5[%dma_wait3A_136] : memref<1354752xi32, #tpu.memory_space<hbm>> -> memref<3024xi32, #tpu.memory_space<hbm>>
    %dma_wait3A_138 = arith.constant 0 : i32
    %dma_wait3A_139 = tpu.memref_slice %arg10[%dma_wait3A_138] : memref<3040xi32, #tpu.memory_space<vmem>> -> memref<3024xi32, #tpu.memory_space<vmem>>
    tpu.wait_dma2 semaphore(%arg17 : memref<!tpu.dma_semaphore, #tpu.memory_space<semaphore_mem>>) src(%dma_wait3A_139 : memref<3024xi32, #tpu.memory_space<vmem>>) dst(%dma_wait3A_137 : memref<3024xi32, #tpu.memory_space<hbm>>)
    return
  }
}

module attributes {stable_mosaic.version = 14 : i64} {
  func.func @_tc_body(%arg0: i32, %arg1: memref<1568x432xbf16, #tpu.memory_space<vmem>>, %arg2: memref<432x16xbf16, #tpu.memory_space<vmem>>, %arg3: memref<1x16xf32, #tpu.memory_space<vmem>>, %arg4: memref<1x16xf32, #tpu.memory_space<vmem>>, %arg5: memref<1568x16xf32, #tpu.memory_space<vmem>>) attributes {dimension_semantics = [#tpu.dimension_semantics<arbitrary>], iteration_bounds = array<i64: 32>, scalar_prefetch = 0 : i64, scratch_operands = 0 : i64, tpu.core_type = #tpu.core_type<tc>, window_params = [{transform_indices = @transform_0, window_bounds = array<i64: 1568, 432>}, {pipeline_mode = #tpu.pipeline_mode<synchronous>, transform_indices = @transform_1, window_bounds = array<i64: 432, 16>}, {pipeline_mode = #tpu.pipeline_mode<synchronous>, transform_indices = @transform_2, window_bounds = array<i64: 1, 16>}, {pipeline_mode = #tpu.pipeline_mode<synchronous>, transform_indices = @transform_3, window_bounds = array<i64: 1, 16>}, {transform_indices = @transform_4, window_bounds = array<i64: 1568, 16>}]} {
    %get3A = arith.constant 0 : index
    %get3A_0 = arith.constant 0 : index
    %get3A_1 = vector.load %arg1[%get3A, %get3A_0] : memref<1568x432xbf16, #tpu.memory_space<vmem>>, vector<1568x432xbf16>
    %get3A_2 = arith.constant 0 : index
    %get3A_3 = arith.constant 0 : index
    %get3A_4 = vector.load %arg2[%get3A_2, %get3A_3] : memref<432x16xbf16, #tpu.memory_space<vmem>>, vector<432x16xbf16>
    %dot_general3A = arith.constant dense<0.000000e+00> : vector<1568x16xf32>
    %dot_general3A_5 = tpu.matmul %get3A_1, %get3A_4, %dot_general3A {dimension_numbers = #tpu.dot_dimension_numbers<[1], [0], [0], [1], [0, 0, 1, 1], [], []>, transpose_lhs_hint = false} : vector<1568x432xbf16>, vector<432x16xbf16>, vector<1568x16xf32> -> vector<1568x16xf32>
    %broadcast_in_dim3A = arith.constant 6.250000e-02 : f32
    %broadcast_in_dim3A_6 = vector.broadcast %broadcast_in_dim3A : f32 to vector<16x16xf32>
    %dot_general3A_7 = arith.constant dense<0.000000e+00> : vector<1568x16xf32>
    %dot_general3A_8 = tpu.matmul %dot_general3A_5, %broadcast_in_dim3A_6, %dot_general3A_7 {dimension_numbers = #tpu.dot_dimension_numbers<[1], [0], [0], [1], [0, 0, 1, 1], [], []>, transpose_lhs_hint = false} : vector<1568x16xf32>, vector<16x16xf32>, vector<1568x16xf32> -> vector<1568x16xf32>
    %sub3A = arith.subf %dot_general3A_5, %dot_general3A_8 : vector<1568x16xf32>
    %mul3A = arith.mulf %sub3A, %sub3A : vector<1568x16xf32>
    %dot_general3A_9 = arith.constant dense<0.000000e+00> : vector<1568x16xf32>
    %dot_general3A_10 = tpu.matmul %mul3A, %broadcast_in_dim3A_6, %dot_general3A_9 {dimension_numbers = #tpu.dot_dimension_numbers<[1], [0], [0], [1], [0, 0, 1, 1], [], []>, transpose_lhs_hint = false} : vector<1568x16xf32>, vector<16x16xf32>, vector<1568x16xf32> -> vector<1568x16xf32>
    %add3A = arith.constant 1.000000e-03 : f32
    %add3A_11 = vector.broadcast %add3A : f32 to vector<1568x16xf32>
    %add3A_12 = arith.addf %dot_general3A_10, %add3A_11 : vector<1568x16xf32>
    %rsqrt3A = math.rsqrt %add3A_12 : vector<1568x16xf32>
    %mul3A_13 = arith.mulf %sub3A, %rsqrt3A : vector<1568x16xf32>
    %get3A_14 = arith.constant 0 : index
    %get3A_15 = arith.constant 0 : index
    %get3A_16 = vector.load %arg3[%get3A_14, %get3A_15] : memref<1x16xf32, #tpu.memory_space<vmem>>, vector<1x16xf32>
    %mul3A_17 = vector.broadcast %get3A_16 : vector<1x16xf32> to vector<1568x16xf32>
    %mul3A_18 = arith.mulf %mul3A_13, %mul3A_17 : vector<1568x16xf32>
    %get3A_19 = arith.constant 0 : index
    %get3A_20 = arith.constant 0 : index
    %get3A_21 = vector.load %arg4[%get3A_19, %get3A_20] : memref<1x16xf32, #tpu.memory_space<vmem>>, vector<1x16xf32>
    %add3A_22 = vector.broadcast %get3A_21 : vector<1x16xf32> to vector<1568x16xf32>
    %add3A_23 = arith.addf %mul3A_18, %add3A_22 : vector<1568x16xf32>
    %max3A = arith.constant 0.000000e+00 : f32
    %max3A_24 = vector.broadcast %max3A : f32 to vector<1568x16xf32>
    %max3A_25 = arith.maximumf %add3A_23, %max3A_24 : vector<1568x16xf32>
    %swap3A = arith.constant 0 : index
    %swap3A_26 = arith.constant 0 : index
    %swap3A_27 = vector.load %arg5[%swap3A, %swap3A_26] : memref<1568x16xf32, #tpu.memory_space<vmem>>, vector<1568x16xf32>
    tpu.vector_store %arg5[%swap3A, %swap3A_26], %max3A_25 {strides = array<i32>} : memref<1568x16xf32, #tpu.memory_space<vmem>>, vector<1568x16xf32>,
    return
  }
  func.func @transform_0(%arg0: i32) -> (i32, i32) {
    %c0_i32 = arith.constant 0 : i32
    %c0_i32_0 = arith.constant 0 : i32
    return %arg0, %c0_i32 : i32, i32
  }
  func.func @transform_1(%arg0: i32) -> (i32, i32) {
    %c0_i32 = arith.constant 0 : i32
    %c0_i32_0 = arith.constant 0 : i32
    %c0_i32_1 = arith.constant 0 : i32
    return %c0_i32, %c0_i32_0 : i32, i32
  }
  func.func @transform_2(%arg0: i32) -> (i32, i32) {
    %c0_i32 = arith.constant 0 : i32
    %c0_i32_0 = arith.constant 0 : i32
    %c0_i32_1 = arith.constant 0 : i32
    return %c0_i32, %c0_i32_0 : i32, i32
  }
  func.func @transform_3(%arg0: i32) -> (i32, i32) {
    %c0_i32 = arith.constant 0 : i32
    %c0_i32_0 = arith.constant 0 : i32
    %c0_i32_1 = arith.constant 0 : i32
    return %c0_i32, %c0_i32_0 : i32, i32
  }
  func.func @transform_4(%arg0: i32) -> (i32, i32) {
    %c0_i32 = arith.constant 0 : i32
    %c0_i32_0 = arith.constant 0 : i32
    return %arg0, %c0_i32 : i32, i32
  }
}

</mosaic_0001>

<sc_bundles>
// kernel: kernel.6.cloned.1.call-start
scs
__scs_entry_jumppad:
0x0: {  	(pc) =	sbr.rel $0x88, $3  }
0x1: {  	(tag) =	ssettag $0x0;
	lr =	simm.s32 $0x1  }
0x2: {  	[smem:$0x3F99] =	sst lr;
	_ =	strace $0xD0000000  }
0x3: {  	_ = 	snop  }
0x4: {  	_ = 	snop  }
0x5: {  	_ = 	snop  }
0x6: {  	_ = 	snop  }
0x7: {  	_ = 	snop  }
__scs_overlays_trampoline_lowered:
0x8: {  	[smem:$0x3FA8] =	sst s0  }
0x9: {  	[smem:$0x3FA9] =	sst s1  }
0xa: {  	[smem:$0x3FAA] =	sst s2  }
0xb: {  	[smem:$0x3FAB] =	sst s3  }
0xc: {  	[smem:$0x3FAC] =	sst s4  }
0xd: {  	[smem:$0x3FAD] =	sst s5  }
0xe: {  	[smem:$0x3FAE] =	sst s6  }
0xf: {  	[smem:$0x3FAF] =	sst s7  }
0x10: {  	[smem:$0x3FB0] =	sst s8  }
0x11: {  	[smem:$0x3FB1] =	sst s9;
	s0 =	simm.s32 @!p0 $0x0  }
0x12: {  	s1 =	sld [smem:$0x3F97];
	s0 =	simm.s32 @p0 $0x1  }
0x13: {  	[smem:$0x3FB2] =	sst s0;
	s0 =	simm.s32 @!p1 $0x0  }
0x14: {  	s2 =	sld [smem:$0x3F96];
	s0 =	simm.s32 @p1 $0x1  }
0x15: {  	[smem:$0x3FB3] =	sst s0;
	s0 =	simm.s32 @!p2 $0x0  }
0x16: {  	s3 =	sld [smem:$0x3FDB];
	s0 =	simm.s32 @p2 $0x1  }
0x17: {  	s4 =	simm.s32 $0x1BF5;
	[smem:$0x3FB5] =	sst s0  }
0x18: {  	s0 =	sld [smem:$0x3F98];
	_ =	swait.ge [sflag:s4], $0x0  }
0x19: {  	s7 =	sld [smem:$0x3F99]  }
0x1a: {  	s8 =	sadd.s32 $0xFFFFE003, lr  }
0x1b: {  	s9 =	sadd.s32 $0xFFFFFEF7, lr;
	s5 =	simm.s32 $0xFFFFFFFF;
	p2 =	slt.u32 s8, $0xFFFFF086  }
0x1c: {  	p1 =	slt.u32 s9, $0xF7A;
	s5 =	simm.s32 @!p2 $0x0  }
0x1d: {  	s5 =	simm.s32 @p1 $0x1;
	p0 =	seq.s32 s7, s2  }
0x1e: {  	s7 =	smul.u32 @!p0 $0xF7A, s2;
	p2 =	seq.s32 @!p0 s5, $0x0  }
0x1f: {  	s9 =	smul.u32 $0xF7A, s1;
	s8 =	simm.s32 @!p0 $0x1BF5;
	p2 =	por !p2, p0  }
0x20: {  	[sflag:s8] =	ssyncset.s32 @!p0 $0xFFFFF086;
	s6 =	sadd.s32 @!p0 s3, s7;
	s7 =	simm.s32 @!p0 $0x108  }
0x21: {  	s3 =	sadd.s32 s3, s9;
	s6 =	sadd.s32 @!p0 $0x88, s6;
	s7 =	simm.s32 @p2 $0x1082  }
0x22: {  	[simem:s7], [sflag:s8] =	dma.local @!p0 [hbm:s6], $0xF7A  }
0x23: {  	s9 =	sor.u32 $0xD0000000, s2;
	s6 =	simm.s32 $0x108;
	_ =	swait.ge @!p0 [sflag:s8], $0x0  }
0x24: {  	s3 =	sadd.s32 $0x88, s3;
	s6 =	simm.s32 @!p1 $0x1082;
	[sflag:s4] =	ssyncset.s32 $0xFFFFF086  }
0x25: {  	[simem:s6], [sflag:s4] =	dma.local [hbm:s3], $0xF7A  }
0x26: {  	[smem:$0x3F99] =	sst s1;
	(tag) =	ssettag s2;
	_ =	strace s9  }
0x27: {  	s1 =	sld [smem:$0x3FA9]  }
0x28: {  	s2 =	sld [smem:$0x3FAA]  }
0x29: {  	s4 =	sld [smem:$0x3FAC]  }
0x2a: {  	p0 =	seq.s32 s5, $0x0;
	s5 =	sld [smem:$0x3FAD]  }
0x2b: {  	s6 =	sld [smem:$0x3FAE]  }
0x2c: {  	s7 =	sld [smem:$0x3FAF]  }
0x2d: {  	s3 =	simm.s32 $0x108;
	s8 =	sld [smem:$0x3FB0]  }
0x2e: {  	s3 =	simm.s32 @!p0 $0x1082;
	s9 =	sld [smem:$0x3FB1]  }
0x2f: {  	lr =	sadd.s32 s0, s3;
	s0 =	sld [smem:$0x3FA8]  }
0x30: {  	s3 =	sld [smem:$0x3FAB]  }
0x31: {  	[smem:$0x3FB4] =	sst s10  }
0x32: {  	s10 =	sld [smem:$0x3FB2];
	_ =	sdelay $0x3  }
0x33: {  	p0 =	seq.s32 s10, $0x1;
	s10 =	sld [smem:$0x3FB4];
	_ =	sdelay $0x3  }
0x34: {  	[smem:$0x3FB4] =	sst s10  }
0x35: {  	s10 =	sld [smem:$0x3FB3];
	_ =	sdelay $0x3  }
0x36: {  	p1 =	seq.s32 s10, $0x1;
	s10 =	sld [smem:$0x3FB4];
	_ =	sdelay $0x3  }
0x37: {  	[smem:$0x3FB4] =	sst s10  }
0x38: {  	s10 =	sld [smem:$0x3FB5]  }
0x39: {  	_ = 	snop;
	(pc) =	sbr.ind lr, $3  }
0x3a: {  	_ = 	snop  }
0x3b: {  	_ = 	snop  }
0x3c: {  	p2 =	seq.s32 s10, $0x1;
	s10 =	sld [smem:$0x3FB4]  }
0x3d: {  	_ =	shalt  }
0x3e: {  	_ =	shalt  }
0x3f: {  	_ =	shalt  }
0x40: {  	_ =	shalt  }
0x41: {  	_ =	shalt  }
0x42: {  	_ =	shalt  }
0x43: {  	_ =	shalt  }
0x44: {  	_ =	shalt  }
0x45: {  	_ =	shalt  }
0x46: {  	_ =	shalt  }
0x47: {  	_ =	shalt  }
0x48: {  	_ =	shalt  }
0x49: {  	_ =	shalt  }
0x4a: {  	_ =	shalt  }
0x4b: {  	_ =	shalt  }
0x4c: {  	_ =	shalt  }
0x4d: {  	_ =	shalt  }
0x4e: {  	_ =	shalt  }
0x4f: {  	_ =	shalt  }
0x50: {  	_ =	shalt  }
0x51: {  	_ =	shalt  }
0x52: {  	_ =	shalt  }
0x53: {  	_ =	shalt  }
0x54: {  	_ =	shalt  }
0x55: {  	_ =	shalt  }
0x56: {  	_ =	shalt  }
0x57: {  	_ =	shalt  }
0x58: {  	_ =	shalt  }
0x59: {  	_ =	shalt  }
0x5a: {  	_ =	shalt  }
0x5b: {  	_ =	shalt  }
0x5c: {  	_ =	shalt  }
0x5d: {  	_ =	shalt  }
0x5e: {  	_ =	shalt  }
0x5f: {  	_ =	shalt  }
0x60: {  	_ =	shalt  }
0x61: {  	_ =	shalt  }
0x62: {  	_ =	shalt  }
0x63: {  	_ =	shalt  }
0x64: {  	_ =	shalt  }
0x65: {  	_ =	shalt  }
0x66: {  	_ =	shalt  }
0x67: {  	_ =	shalt  }
0x68: {  	_ =	shalt  }
0x69: {  	_ =	shalt  }
0x6a: {  	_ =	shalt  }
0x6b: {  	_ =	shalt  }
0x6c: {  	_ =	shalt  }
0x6d: {  	_ =	shalt  }
0x6e: {  	_ =	shalt  }
0x6f: {  	_ =	shalt  }
0x70: {  	_ =	shalt  }
0x71: {  	_ =	shalt  }
0x72: {  	_ =	shalt  }
0x73: {  	_ =	shalt  }
0x74: {  	_ =	shalt  }
0x75: {  	_ =	shalt  }
0x76: {  	_ =	shalt  }
0x77: {  	_ =	shalt  }
0x78: {  	_ =	shalt  }
0x79: {  	_ =	shalt  }
0x7a: {  	_ =	shalt  }
0x7b: {  	_ =	shalt  }
0x7c: {  	_ =	shalt  }
0x7d: {  	_ =	shalt  }
0x7e: {  	_ =	shalt  }
0x7f: {  	_ =	shalt  }
0x80: {  	_ =	shalt  }
0x81: {  	_ =	shalt  }
0x82: {  	_ =	shalt  }
0x83: {  	_ =	shalt  }
0x84: {  	_ =	shalt  }
0x85: {  	_ =	shalt  }
0x86: {  	_ =	shalt  }
0x87: {  	_ =	shalt  }
.Lfunc_end0:
.L_simem_size_0:
called_computation_lowered:
.L_overlay_start_0:
0x88: {  	s2 =	sld [smem:$0x3FD9]  }
0x89: {  	s3 =	sld [smem:$0x3FFE];
	_ =	sdelay $0x1  }
0x8a: {  	s1 =	srdreg.scid  }
0x8b: {  	s0 =	sand.u32 $0x1, s1  }
0x8c: {  	s14 =	sshll.u32 s0, $0xA;
	s2 =	sadd.s32 s3, s2  }
0x8d: {  	s2 =	sadd.s32 s2, s14  }
0x8e: {  	[smem:$0x3FC0] =	sst s2  }
0x8f: {  	_ = 	snop  }
0x90: {  	s2 =	sld [smem:$0x3FD0];
	_ =	sdelay $0x2  }
0x91: {  	s15 =	simm.s32 $0xB;
	s4 =	simm.s32 $0x10  }
0x92: {  	[smem:s4], [sflag:s15] =	dma.local [hbm:s2], $0x1  }
0x93: {  	_ =	swait.eq [sflag:s15], $0x1  }
0x94: {  	[sflag:s15] =	ssyncset.done $0x0  }
0x95: {  	s16 =	sld [smem:$0x13];
	[sflag:s15] =	ssyncadd.s32 $0xFFFFFFFF  }
0x96: {  	s17 =	sld [smem:$0x14];
	(tm) =	ssettm $0x1  }
0x97: {  	s18 =	sld [smem:$0x3FFB];
	_ =	sdelay $0x3  }
0x98: {  	_ =	strace s18  }
0x99: {  	s4 =	sld [smem:$0x3FFC];
	_ =	sdelay $0x3  }
0x9a: {  	_ =	strace s4  }
0x9b: {  	s4 =	sld [smem:$0x3FFD];
	_ =	sdelay $0x3  }
0x9c: {  	_ =	strace s4  }
0x9d: {  	_ =	strace $0x8FFFFFFF  }
0x9e: {  	s19 =	sld [smem:$0x3FDB];
	_ =	sdelay $0x1  }
0x9f: {  	s5 =	simm.s32 $_scs_section_size  }
0xa0: {  	s6 =	simm.s32 $_size__tile_overlayer_lowered;
	s7 =	simm.s32 $_tile_overlayer_lowered  }
0xa1: {  	s22 =	simm.s32 $0x1BFF;
	s21 =	sshll.u32 s7, $0x1;
	s4 =	sadd.s32 s5, s19  }
0xa2: {  	s8 =	simm.s32 $0x0;
	s20 =	sshll.u32 s6, $0x1;
	s6 =	sadd.s32 s21, s4  }
0xa3: {  	[timem:s8], [sflag:s22] =	dma.local [hbm:s6], s20  }
0xa4: {  	_ =	swait.ge [sflag:s22], s20  }
0xa5: {  	s5 =	ssub.s32 $0x0, s20;
	[sflag:s22] =	ssyncset.done $0x0  }
0xa6: {  	[sflag:s22] =	ssyncadd.s32 s5;
	_ =	sdelay $0x1  }
0xa7: {  	s23 =	simm.s32 $0x1B8B  }
0xa8: {  	_ =	swait.ge [sflag:s23], $0x1  }
0xa9: {  	[sflag:s23] =	ssyncset.done $0x0  }
0xaa: {  	s25 =	simm.s32 $0x1B8E;
	s24 =	sld [smem:$0x3FFE];
	[sflag:s23] =	ssyncadd.s32 $0xFFFFFFFF  }
0xab: {  	s26 =	simm.s32 $execute0_lowered;
	[smem:$0x3FD2] =	sst s25  }
0xac: {  	s6 =	sshll.u32 s26, $0x1;
	_ =	strace $0x80000046;
	[dreg:$0x1] =	wrdreg $0xFFFFFFFF  }
0xad: {  	s28 =	simm.s32 $_size_execute0_lowered;
	s4 =	sadd.s32 s4, s6;
	[dreg:$0x0] =	wrdreg $0x0  }
0xae: {  	s6 =	sshll.u32 s28, $0x1;
	[dreg:$0x2] =	wrdreg s4  }
0xaf: {  	[dreg:$0x3] =	wrdreg s6  }
0xb0: {  	[dreg:$0x4] =	wrdreg $0xC0  }
0xb1: {  	_ =	task [dreg:s8], $0x5FFFF  }
0xb2: {  	[dreg:$0x1] =	wrdreg $0xFFFFFFFF  }
0xb3: {  	[dreg:$0x0] =	wrdreg $0x60  }
0xb4: {  	[dreg:$0x2] =	wrdreg s16  }
0xb5: {  	[dreg:$0x3] =	wrdreg s17  }
0xb6: {  	[dreg:$0x4] =	wrdreg s24  }
0xb7: {  	[dreg:$0x5] =	wrdreg $0x9  }
0xb8: {  	_ =	task.clear_ibuf [dreg:s8], $0x6FFFF;
	_ =	strace $0x90000046  }
0xb9: {  	s29 =	simm.s32 $0x9;
	_ =	strace $0x80000048  }
0xba: {  	_ =	swait.ge [sflag:s29], $0x1  }
0xbb: {  	[sflag:s29] =	ssyncadd.s32 $0xFFFFFFFF  }
0xbc: {  	_ =	strace $0x90000048  }
0xbd: {  	_ =	sfence  }
0xbe: {  	s30 =	sld [smem:$0x0];
	_ =	sdelay $0x2  }
0xbf: {  	s31 =	sshll.u32 s1, $0xD;
	s1 =	sshrl.u32 s1, $0x2  }
0xc0: {  	s3 =	sand.u32 $0x4000, s31;
	s1 =	sadd.s32 s1, s30  }
0xc1: {  	s0 =	sor.u32 s3, s0;
	s1 =	sshll.u32 s1, $0x11  }
0xc2: {  	s0 =	sor.u32 s1, s0  }
0xc3: {  	s0 =	sadd.s32 $0x8F2B, s0  }
0xc4: {  	[sflag:s0] =	ssyncadd.remote.s32 $0x1  }
0xc5: {  	_ =	sfence.sel $0xFFFF  }
0xc6: {  	[dreg:$0x0] =	wrdreg $0xFFFFFFFF;
	(pc) =	sbr.abs _section_cstart, $3  }
0xc7: {  	[dreg:$0x1] =	wrdreg $0xFFFFFFFF  }
0xc8: {  	_ =	task.clear_ibuf [dreg:s8], $0x2FFFF;
	_ =	strace $0x9FFFFFFF  }
0xc9: {  	(tm) =	ssettm $0x7FFFFFFF  }
tec
execute0_lowered:
.L_overlay_start_1:
0x0: {  	(tag) =	ssettag $0x1  }
0x1: {  	s1 =	rddreg [dreg:$0x0]  }
0x2: {  	s0 =	rddreg [dreg:$0x1]  }
0x3: {  	s2 =	rddreg [dreg:$0x2]  }
0x4: {  	s4 =	srdreg.scid;
	s5 =	stileid.u32  }
0x5: {  	s3 =	simm.s32 $0x0;
	s14 =	simm.s32 $0x8;
	s15 =	simm.s32 $0x70  }
0x6: {  	s16 =	simm.s32 $0x620;
	s17 =	simm.s32 $0x1;
	s18 =	simm.s32 $0x1420  }
0x7: {  	s19 =	simm.s32 $0xBD0;
	s20 =	simm.s32 $0x2BE0;
	s28 =	simm.s32 $0x5  }
0x8: {  	s30 =	simm.s32 $0x7;
	s7 =	sand.u32 $0x1, s4;
	s21 =	sshll.u32 s5, $0x1  }
0x9: {  	s31 =	simm.s32 $0x0;
	[smem:$0x7FF] =	sst s3;
	s8 =	sor.u32 s7, s21  }
0xa: {  	s4 =	sadd.s32 $0x2A00, s2;
	s6 =	sadd.s32 $0x165E00, s2;
	s5 =	smul.u32 $0x620, s8  }
0xb: {  	_ =	strace $0x80000047;
	s9 =	ssub.s32 $0x2, s7;
	s10 =	smul.u32 $0xA560, s8  }
0xc: {  	s7 =	sadd.s32 $0x1B200, s2;
	s22 =	sshrl.u32 s9, $0x1;
	s11 =	smul.u32 $0xA5600, s8  }
0xd: {  	s21 =	simm.s32 $0x2000;
	s8 =	smul.u32 $0x14AC, s8;
	s2 =	ssub.s32 s9, s22  }
0xe: {  	s22 =	simm.s32 $0x2;
	s23 =	sshrl.u32 s5, $0x3;
	s24 =	sadd.s32 $0x9990, s10  }
0xf: {  	s25 =	sshrl.u32 s11, $0x4;
	s8 =	sadd.s32 s6, s8;
	s13 =	smax.u32 s2, $0x1  }
0x10: {  	s0 =	sadd.s32 s0, s23;
	[dreg:$0x5] =	wrdreg s8;
	s26 =	sshrl.u32 s24, $0x3  }
0x11: {  	s9 =	sadd.s32 s7, s25;
	[dreg:$0x4] =	wrdreg s0;
	s8 =	sadd.s32 s6, s26  }
0x12: {  	s23 =	simm.s32 $0x8A60;
	s29 =	sadd.s32 $0x8DC0, s9;
	[dreg:$0x6] =	wrdreg s8  }
0x13: {  	s25 =	simm.s32 $0x3;
	s0 =	sadd.s32 s7, s24;
	[dreg:$0x7] =	wrdreg s29  }
0x14: {  	v0 =	vlaneseq.u32;
	s24 =	simm.s32 $0x4;
	s26 =	simm.s32 $0x6;
	[dreg:$0x8] =	wrdreg s0  }
.LBB2_1:
0x15: {  	s0 =	rddreg [dreg:$0x4]  }
0x16: {  	[tilespmem:s3], [sflag:$0x8] =	stream.linear.gather [hbm4b:s0+s3], $0x620, $0x38;
	[tilespmem:$0xE8E0] =	vst v63  }
0x17: {  	_ =	swait.ge [sflag:s14], $0x620  }
0x18: {  	[sflag:s14] =	ssyncset.done $0x0  }
0x19: {  	[sflag:s14] =	ssyncadd.s32 $0xFFFFF9E0  }
0x1a: {  	[tilespmem:s16], [sflag:$0x1] =	stream.indirect.gather [hbm4b:s1+s15], $0x20, s3, s15, $0xb8;
	[tilespmem:$0xE8E0] =	vst v63  }
0x1b: {  	_ =	swait.ge [sflag:s17], $0xE00  }
0x1c: {  	[sflag:s17] =	ssyncset.done $0x0  }
0x1d: {  	s0 =	simm.s32 $0x660;
	[sflag:s17] =	ssyncadd.s32 $0xFFFFF200  }
0x1e: {  	s2 =	simm.s32 $0x10;
	v1 =	vld [tilespmem:s0+$0xFFFFFFC0]  }
0x1f: {  	v3 =	vadd.s32 s2, v0;
	v2 =	vld [tilespmem:s0+$0xFFFFFFD0];
	_ =	sdelay $0x2  }
0x20: {  	s9 =	simm.s32 $0x1456  }
0x21: {  	[tilespmem:s9+$0xFFFFFFCA] =	vst v1  }
0x22: {  	[tilespmem:v3+s18+$0x0] =	vst.idx.msk $0x7ff, v2  }
0x23: {  	s12 =	simm.s32 $0x2B;
	v1 =	vld [tilespmem:s0+$0xFFFFFFE0]  }
0x24: {  	v3 =	vadd.s32 s12, v0;
	v2 =	vld [tilespmem:s0+$0xFFFFFFF0];
	_ =	sdelay $0x3  }
0x25: {  	[tilespmem:s9+$0xFFFFFFE5] =	vst v1  }
0x26: {  	[tilespmem:v3+s18+$0x0] =	vst.idx.msk $0x7ff, v2  }
0x27: {  	s29 =	simm.s32 $0x46;
	v1 =	vld [tilespmem:s0+$0x0]  }
0x28: {  	v3 =	vadd.s32 s29, v0;
	v2 =	vld [tilespmem:s0+$0x10];
	_ =	sdelay $0x3  }
0x29: {  	[tilespmem:s9+$0x0] =	vst v1  }
0x2a: {  	[tilespmem:v3+s18+$0x0] =	vst.idx.msk $0x7ff, v2  }
0x2b: {  	s2 =	simm.s32 $0x61;
	v3 =	vld [tilespmem:s0+$0x20]  }
0x2c: {  	v2 =	vadd.s32 s2, v0;
	v1 =	vld [tilespmem:s0+$0x30];
	_ =	sdelay $0x3  }
0x2d: {  	s8 =	simm.s32 $0x0;
	[tilespmem:s9+$0x1B] =	vst v3;
	s9 =	simm.s32 $0x14C2  }
.LBB2_2:
0x2e: {  	s8 =	sadd.s32 $0x4, s8;
	[tilespmem:v2+s18+$0x0] =	vst.idx.msk $0x7ff, v1;
	s2 =	sadd.s32 $0x6C, s2;
	s0 =	sadd.s32 $0x80, s0  }
0x2f: {  	v1 =	vld [tilespmem:s0+$0xFFFFFFC0];
	s10 =	sadd.s32 $0xFFFFFFAF, s2;
	p0 =	slt.u32 s8, $0x6C  }
0x30: {  	v2 =	vld [tilespmem:s0+$0xFFFFFFD0];
	v3 =	vadd.s32 s10, v0;
	_ =	sdelay $0x3  }
0x31: {  	[tilespmem:s9+$0xFFFFFFCA] =	vst v1  }
0x32: {  	[tilespmem:v3+s18+$0x0] =	vst.idx.msk $0x7ff, v2  }
0x33: {  	s10 =	sadd.s32 $0xFFFFFFCA, s2;
	v1 =	vld [tilespmem:s0+$0xFFFFFFE0]  }
0x34: {  	v3 =	vadd.s32 s10, v0;
	v2 =	vld [tilespmem:s0+$0xFFFFFFF0];
	_ =	sdelay $0x3  }
0x35: {  	[tilespmem:s9+$0xFFFFFFE5] =	vst v1  }
0x36: {  	[tilespmem:v3+s18+$0x0] =	vst.idx.msk $0x7ff, v2  }
0x37: {  	s10 =	sadd.s32 $0xFFFFFFE5, s2;
	v1 =	vld [tilespmem:s0+$0x0]  }
0x38: {  	v3 =	vadd.s32 s10, v0;
	v2 =	vld [tilespmem:s0+$0x10];
	_ =	sdelay $0x3  }
0x39: {  	[tilespmem:s9+$0x0] =	vst v1  }
0x3a: {  	[tilespmem:v3+s18+$0x0] =	vst.idx.msk $0x7ff, v2  }
0x3b: {  	v3 =	vld [tilespmem:s0+$0x20]  }
.Ltmp0:
0x3c: {  	v2 =	vadd.s32 s2, v0;
	v1 =	vld [tilespmem:s0+$0x30];
	(pc) =	sbr.rel @p0 .LBB2_2-.Ltmp0, $2  }
0x3d: {  	_ =	sdelay $0x2  }
0x3e: {  	[tilespmem:s9+$0x1B] =	vst v3;
	s9 =	sadd.s32 $0x6C, s9  }
0x3f: {  	_ =	sdelay $0x3  }
0x40: {  	[tilespmem:v2+s18+$0x0] =	vst.idx.msk $0x7ff, v1;
	s0 =	simm.s32 $0x0;
	s2 =	rddreg [dreg:$0x5]  }
0x41: {  	[hbm4b:s2+s0] =	stream.linear.scatter [tilespmem:s18], [sflag:$0x4], $0xBD0, $0x38;
	[tilespmem:$0xE8E0] =	vst v63  }
0x42: {  	_ = 	snop  }
0x43: {  	[tilespmem:s20], [sflag:$0x2] =	stream.indirect.gather [hbm4b:s4+s19], $0x8, s18, s19, $0xb8;
	[tilespmem:$0xE8E0] =	vst v63  }
.LBB2_4:
0x44: {  	p0 =	seq.s32 s0, $0x0  }
0x45: {  	s2 =	simm.s32 @!p0 $0x5  }
0x46: {  	s29 =	smul.u32 $0xE0, s0;
	_ =	swait.ge @!p0 [sflag:s2], $0xBD0  }
0x47: {  	[sflag:s2] =	ssyncset.done @!p0 $0x0  }
0x48: {  	[sflag:s2] =	ssyncadd.s32 @!p0 $0xFFFFF430;
	s2 =	sadd.s32 $0x70, s29  }
0x49: {  	[tilespmem:s16], [sflag:$0x1] =	stream.indirect.gather [hbm4b:s1+s15], $0x20, s2, s15, $0xb8;
	[tilespmem:$0xE8E0] =	vst v63  }
0x4a: {  	_ =	swait.ge [sflag:s17], $0xE00  }
0x4b: {  	[sflag:s17] =	ssyncset.done $0x0  }
0x4c: {  	s8 =	simm.s32 $0x660;
	[sflag:s17] =	ssyncadd.s32 $0xFFFFF200  }
0x4d: {  	s9 =	simm.s32 $0x10;
	v1 =	vld [tilespmem:s8+$0xFFFFFFC0]  }
0x4e: {  	v3 =	vadd.s32 s9, v0;
	v2 =	vld [tilespmem:s8+$0xFFFFFFD0];
	_ =	sdelay $0x2  }
0x4f: {  	s11 =	simm.s32 $0x2036  }
0x50: {  	[tilespmem:s11+$0xFFFFFFCA] =	vst v1  }
0x51: {  	[tilespmem:v3+s21+$0x0] =	vst.idx.msk $0x7ff, v2  }
0x52: {  	s10 =	simm.s32 $0x2B;
	v1 =	vld [tilespmem:s8+$0xFFFFFFE0]  }
0x53: {  	v3 =	vadd.s32 s10, v0;
	v2 =	vld [tilespmem:s8+$0xFFFFFFF0];
	_ =	sdelay $0x3  }
0x54: {  	[tilespmem:s11+$0xFFFFFFE5] =	vst v1  }
0x55: {  	[tilespmem:v3+s21+$0x0] =	vst.idx.msk $0x7ff, v2  }
0x56: {  	s12 =	simm.s32 $0x46;
	v1 =	vld [tilespmem:s8+$0x0]  }
0x57: {  	v3 =	vadd.s32 s12, v0;
	v2 =	vld [tilespmem:s8+$0x10];
	_ =	sdelay $0x3  }
0x58: {  	[tilespmem:s11+$0x0] =	vst v1  }
0x59: {  	[tilespmem:v3+s21+$0x0] =	vst.idx.msk $0x7ff, v2  }
0x5a: {  	s9 =	simm.s32 $0x61;
	v3 =	vld [tilespmem:s8+$0x20]  }
0x5b: {  	v2 =	vadd.s32 s9, v0;
	v1 =	vld [tilespmem:s8+$0x30];
	_ =	sdelay $0x3  }
0x5c: {  	s10 =	simm.s32 $0x0;
	[tilespmem:s11+$0x1B] =	vst v3;
	s11 =	simm.s32 $0x20A2  }
.LBB2_5:
0x5d: {  	s10 =	sadd.s32 $0x4, s10;
	[tilespmem:v2+s21+$0x0] =	vst.idx.msk $0x7ff, v1;
	s9 =	sadd.s32 $0x6C, s9;
	s8 =	sadd.s32 $0x80, s8  }
0x5e: {  	v1 =	vld [tilespmem:s8+$0xFFFFFFC0];
	s12 =	sadd.s32 $0xFFFFFFAF, s9;
	p1 =	slt.u32 s10, $0x6C  }
0x5f: {  	v2 =	vld [tilespmem:s8+$0xFFFFFFD0];
	v3 =	vadd.s32 s12, v0;
	_ =	sdelay $0x3  }
0x60: {  	[tilespmem:s11+$0xFFFFFFCA] =	vst v1  }
0x61: {  	[tilespmem:v3+s21+$0x0] =	vst.idx.msk $0x7ff, v2  }
0x62: {  	s12 =	sadd.s32 $0xFFFFFFCA, s9;
	v1 =	vld [tilespmem:s8+$0xFFFFFFE0]  }
0x63: {  	v3 =	vadd.s32 s12, v0;
	v2 =	vld [tilespmem:s8+$0xFFFFFFF0];
	_ =	sdelay $0x3  }
0x64: {  	[tilespmem:s11+$0xFFFFFFE5] =	vst v1  }
0x65: {  	[tilespmem:v3+s21+$0x0] =	vst.idx.msk $0x7ff, v2  }
0x66: {  	s12 =	sadd.s32 $0xFFFFFFE5, s9;
	v1 =	vld [tilespmem:s8+$0x0]  }
0x67: {  	v3 =	vadd.s32 s12, v0;
	v2 =	vld [tilespmem:s8+$0x10];
	_ =	sdelay $0x3  }
0x68: {  	[tilespmem:s11+$0x0] =	vst v1  }
0x69: {  	[tilespmem:v3+s21+$0x0] =	vst.idx.msk $0x7ff, v2  }
0x6a: {  	v3 =	vld [tilespmem:s8+$0x20]  }
.Ltmp1:
0x6b: {  	v2 =	vadd.s32 s9, v0;
	v1 =	vld [tilespmem:s8+$0x30];
	(pc) =	sbr.rel @p1 .LBB2_5-.Ltmp1, $2  }
0x6c: {  	_ =	sdelay $0x2  }
0x6d: {  	[tilespmem:s11+$0x1B] =	vst v3;
	s11 =	sadd.s32 $0x6C, s11  }
0x6e: {  	s2 =	sadd.s32 s5, s2  }
0x6f: {  	s2 =	smul.u32 $0x1B, s2;
	_ =	sdelay $0x1  }
0x70: {  	s8 =	sshrl.u32 s2, $0x3  }
0x71: {  	[tilespmem:v2+s21+$0x0] =	vst.idx.msk $0x7ff, v1;
	s9 =	sadd.s32 s5, s29;
	s8 =	sadd.s32 s6, s8  }
0x72: {  	[hbm4b:s8+s3] =	stream.linear.scatter [tilespmem:s21], [sflag:$0x5], $0xBD0, $0x38;
	[tilespmem:$0xE8E0] =	vst v63  }
0x73: {  	s8 =	smul.u32 $0x1B, s9;
	_ =	swait.ge [sflag:s22], $0x5E80  }
0x74: {  	[sflag:s22] =	ssyncset.done $0x0  }
0x75: {  	s8 =	sadd.s32 s7, s8;
	[sflag:s22] =	ssyncadd.s32 $0xFFFFA180  }
0x76: {  	[hbm4b:s8+s3] =	stream.linear.scatter [tilespmem:s20], [sflag:$0x6], $0x5E80, $0x38;
	[tilespmem:$0xE8E0] =	vst v63  }
0x77: {  	s8 =	simm.s32 @!p0 $0x7  }
0x78: {  	_ =	swait.ge @!p0 [sflag:s8], $0x5E80  }
0x79: {  	[sflag:s8] =	ssyncset.done @!p0 $0x0  }
0x7a: {  	[sflag:s8] =	ssyncadd.s32 @!p0 $0xFFFFA180  }
0x7b: {  	[tilespmem:s23], [sflag:$0x3] =	stream.indirect.gather [hbm4b:s4+s19], $0x8, s21, s19, $0xb8;
	[tilespmem:$0xE8E0] =	vst v63  }
0x7c: {  	_ =	swait.ge [sflag:s24], $0xBD0  }
0x7d: {  	[sflag:s24] =	ssyncset.done $0x0  }
0x7e: {  	s29 =	sadd.s32 $0xE0, s29;
	[sflag:s24] =	ssyncadd.s32 $0xFFFFF430  }
0x7f: {  	[tilespmem:s16], [sflag:$0x1] =	stream.indirect.gather [hbm4b:s1+s15], $0x20, s29, s15, $0xb8;
	[tilespmem:$0xE8E0] =	vst v63  }
0x80: {  	_ =	swait.ge [sflag:s17], $0xE00  }
0x81: {  	[sflag:s17] =	ssyncset.done $0x0  }
0x82: {  	s8 =	simm.s32 $0x660;
	[sflag:s17] =	ssyncadd.s32 $0xFFFFF200  }
0x83: {  	s9 =	simm.s32 $0x10;
	v1 =	vld [tilespmem:s8+$0xFFFFFFC0]  }
0x84: {  	v3 =	vadd.s32 s9, v0;
	v2 =	vld [tilespmem:s8+$0xFFFFFFD0];
	_ =	sdelay $0x2  }
0x85: {  	s11 =	simm.s32 $0x1456  }
0x86: {  	[tilespmem:s11+$0xFFFFFFCA] =	vst v1  }
0x87: {  	[tilespmem:v3+s18+$0x0] =	vst.idx.msk $0x7ff, v2  }
0x88: {  	s10 =	simm.s32 $0x2B;
	v1 =	vld [tilespmem:s8+$0xFFFFFFE0]  }
0x89: {  	v3 =	vadd.s32 s10, v0;
	v2 =	vld [tilespmem:s8+$0xFFFFFFF0];
	_ =	sdelay $0x3  }
0x8a: {  	[tilespmem:s11+$0xFFFFFFE5] =	vst v1  }
0x8b: {  	[tilespmem:v3+s18+$0x0] =	vst.idx.msk $0x7ff, v2  }
0x8c: {  	s12 =	simm.s32 $0x46;
	v1 =	vld [tilespmem:s8+$0x0]  }
0x8d: {  	v3 =	vadd.s32 s12, v0;
	v2 =	vld [tilespmem:s8+$0x10];
	_ =	sdelay $0x3  }
0x8e: {  	[tilespmem:s11+$0x0] =	vst v1  }
0x8f: {  	[tilespmem:v3+s18+$0x0] =	vst.idx.msk $0x7ff, v2  }
0x90: {  	s9 =	simm.s32 $0x61;
	v3 =	vld [tilespmem:s8+$0x20]  }
0x91: {  	v2 =	vadd.s32 s9, v0;
	v1 =	vld [tilespmem:s8+$0x30];
	_ =	sdelay $0x3  }
0x92: {  	s10 =	simm.s32 $0x0;
	[tilespmem:s11+$0x1B] =	vst v3;
	s11 =	simm.s32 $0x14C2  }
.LBB2_7:
0x93: {  	s10 =	sadd.s32 $0x4, s10;
	[tilespmem:v2+s18+$0x0] =	vst.idx.msk $0x7ff, v1;
	s9 =	sadd.s32 $0x6C, s9;
	s8 =	sadd.s32 $0x80, s8  }
0x94: {  	v1 =	vld [tilespmem:s8+$0xFFFFFFC0];
	s12 =	sadd.s32 $0xFFFFFFAF, s9;
	p0 =	slt.u32 s10, $0x6C  }
0x95: {  	v2 =	vld [tilespmem:s8+$0xFFFFFFD0];
	v3 =	vadd.s32 s12, v0;
	_ =	sdelay $0x3  }
0x96: {  	[tilespmem:s11+$0xFFFFFFCA] =	vst v1  }
0x97: {  	[tilespmem:v3+s18+$0x0] =	vst.idx.msk $0x7ff, v2  }
0x98: {  	s12 =	sadd.s32 $0xFFFFFFCA, s9;
	v1 =	vld [tilespmem:s8+$0xFFFFFFE0]  }
0x99: {  	v3 =	vadd.s32 s12, v0;
	v2 =	vld [tilespmem:s8+$0xFFFFFFF0];
	_ =	sdelay $0x3  }
0x9a: {  	[tilespmem:s11+$0xFFFFFFE5] =	vst v1  }
0x9b: {  	[tilespmem:v3+s18+$0x0] =	vst.idx.msk $0x7ff, v2  }
0x9c: {  	s12 =	sadd.s32 $0xFFFFFFE5, s9;
	v1 =	vld [tilespmem:s8+$0x0]  }
0x9d: {  	v3 =	vadd.s32 s12, v0;
	v2 =	vld [tilespmem:s8+$0x10];
	_ =	sdelay $0x3  }
0x9e: {  	[tilespmem:s11+$0x0] =	vst v1  }
0x9f: {  	[tilespmem:v3+s18+$0x0] =	vst.idx.msk $0x7ff, v2  }
0xa0: {  	v3 =	vld [tilespmem:s8+$0x20]  }
.Ltmp2:
0xa1: {  	v2 =	vadd.s32 s9, v0;
	v1 =	vld [tilespmem:s8+$0x30];
	(pc) =	sbr.rel @p0 .LBB2_7-.Ltmp2, $2  }
0xa2: {  	_ =	sdelay $0x2  }
0xa3: {  	[tilespmem:s11+$0x1B] =	vst v3;
	s11 =	sadd.s32 $0x6C, s11  }
0xa4: {  	s8 =	sadd.s32 s5, s29  }
0xa5: {  	s8 =	smul.u32 $0x1B, s8;
	_ =	sdelay $0x1  }
0xa6: {  	s8 =	sshrl.u32 s8, $0x3  }
0xa7: {  	[tilespmem:v2+s18+$0x0] =	vst.idx.msk $0x7ff, v1;
	s8 =	sadd.s32 s6, s8  }
0xa8: {  	[hbm4b:s8+s3] =	stream.linear.scatter [tilespmem:s18], [sflag:$0x4], $0xBD0, $0x38;
	[tilespmem:$0xE8E0] =	vst v63  }
0xa9: {  	_ =	swait.ge [sflag:s25], $0x5E80  }
0xaa: {  	s0 =	sadd.s32 $0x1, s0;
	[sflag:s25] =	ssyncset.done $0x0  }
0xab: {  	s2 =	sadd.s32 s7, s2;
	p0 =	sne.s32 s0, $0x6;
	[sflag:s25] =	ssyncadd.s32 $0xFFFFA180  }
0xac: {  	[hbm4b:s2+s3] =	stream.linear.scatter [tilespmem:s23], [sflag:$0x7], $0x5E80, $0x38;
	[tilespmem:$0xE8E0] =	vst v63  }
.Ltmp3:
0xad: {  	_ = 	snop;
	(pc) =	sbr.rel @p0 .LBB2_4-.Ltmp3, $4  }
0xae: {  	_ =	swait.ge [sflag:s26], $0x5E80  }
0xaf: {  	[sflag:s26] =	ssyncset.done $0x0  }
0xb0: {  	[sflag:s26] =	ssyncadd.s32 $0xFFFFA180  }
0xb1: {  	[tilespmem:s20], [sflag:$0x2] =	stream.indirect.gather [hbm4b:s4+s19], $0x8, s18, s19, $0xb8;
	[tilespmem:$0xE8E0] =	vst v63  }
0xb2: {  	_ =	swait.ge [sflag:s28], $0xBD0  }
0xb3: {  	[sflag:s28] =	ssyncset.done $0x0  }
0xb4: {  	s0 =	simm.s32 $0x5B0;
	[sflag:s28] =	ssyncadd.s32 $0xFFFFF430  }
0xb5: {  	[tilespmem:s16], [sflag:$0x1] =	stream.indirect.gather [hbm4b:s1+s15], $0x20, s0, s15, $0xb8;
	[tilespmem:$0xE8E0] =	vst v63  }
0xb6: {  	_ =	swait.ge [sflag:s17], $0xE00  }
0xb7: {  	[sflag:s17] =	ssyncset.done $0x0  }
0xb8: {  	s0 =	simm.s32 $0x660;
	[sflag:s17] =	ssyncadd.s32 $0xFFFFF200  }
0xb9: {  	s2 =	simm.s32 $0x10;
	v1 =	vld [tilespmem:s0+$0xFFFFFFC0]  }
0xba: {  	v3 =	vadd.s32 s2, v0;
	v2 =	vld [tilespmem:s0+$0xFFFFFFD0];
	_ =	sdelay $0x2  }
0xbb: {  	s9 =	simm.s32 $0x2036  }
0xbc: {  	[tilespmem:s9+$0xFFFFFFCA] =	vst v1  }
0xbd: {  	[tilespmem:v3+s21+$0x0] =	vst.idx.msk $0x7ff, v2  }
0xbe: {  	s12 =	simm.s32 $0x2B;
	v1 =	vld [tilespmem:s0+$0xFFFFFFE0]  }
0xbf: {  	v3 =	vadd.s32 s12, v0;
	v2 =	vld [tilespmem:s0+$0xFFFFFFF0];
	_ =	sdelay $0x3  }
0xc0: {  	[tilespmem:s9+$0xFFFFFFE5] =	vst v1  }
0xc1: {  	[tilespmem:v3+s21+$0x0] =	vst.idx.msk $0x7ff, v2  }
0xc2: {  	s29 =	simm.s32 $0x46;
	v1 =	vld [tilespmem:s0+$0x0]  }
0xc3: {  	v3 =	vadd.s32 s29, v0;
	v2 =	vld [tilespmem:s0+$0x10];
	_ =	sdelay $0x3  }
0xc4: {  	[tilespmem:s9+$0x0] =	vst v1  }
0xc5: {  	[tilespmem:v3+s21+$0x0] =	vst.idx.msk $0x7ff, v2  }
0xc6: {  	s2 =	simm.s32 $0x61;
	v3 =	vld [tilespmem:s0+$0x20]  }
0xc7: {  	v2 =	vadd.s32 s2, v0;
	v1 =	vld [tilespmem:s0+$0x30];
	_ =	sdelay $0x3  }
0xc8: {  	s8 =	simm.s32 $0x0;
	[tilespmem:s9+$0x1B] =	vst v3;
	s9 =	simm.s32 $0x20A2  }
.LBB2_10:
0xc9: {  	s8 =	sadd.s32 $0x4, s8;
	[tilespmem:v2+s21+$0x0] =	vst.idx.msk $0x7ff, v1;
	s2 =	sadd.s32 $0x6C, s2;
	s0 =	sadd.s32 $0x80, s0  }
0xca: {  	v1 =	vld [tilespmem:s0+$0xFFFFFFC0];
	s10 =	sadd.s32 $0xFFFFFFAF, s2;
	p0 =	slt.u32 s8, $0x6C  }
0xcb: {  	v2 =	vld [tilespmem:s0+$0xFFFFFFD0];
	v3 =	vadd.s32 s10, v0;
	_ =	sdelay $0x3  }
0xcc: {  	[tilespmem:s9+$0xFFFFFFCA] =	vst v1  }
0xcd: {  	[tilespmem:v3+s21+$0x0] =	vst.idx.msk $0x7ff, v2  }
0xce: {  	s10 =	sadd.s32 $0xFFFFFFCA, s2;
	v1 =	vld [tilespmem:s0+$0xFFFFFFE0]  }
0xcf: {  	v3 =	vadd.s32 s10, v0;
	v2 =	vld [tilespmem:s0+$0xFFFFFFF0];
	_ =	sdelay $0x3  }
0xd0: {  	[tilespmem:s9+$0xFFFFFFE5] =	vst v1  }
0xd1: {  	[tilespmem:v3+s21+$0x0] =	vst.idx.msk $0x7ff, v2  }
0xd2: {  	s10 =	sadd.s32 $0xFFFFFFE5, s2;
	v1 =	vld [tilespmem:s0+$0x0]  }
0xd3: {  	v3 =	vadd.s32 s10, v0;
	v2 =	vld [tilespmem:s0+$0x10];
	_ =	sdelay $0x3  }
0xd4: {  	[tilespmem:s9+$0x0] =	vst v1  }
0xd5: {  	[tilespmem:v3+s21+$0x0] =	vst.idx.msk $0x7ff, v2  }
0xd6: {  	v3 =	vld [tilespmem:s0+$0x20]  }
.Ltmp4:
0xd7: {  	v2 =	vadd.s32 s2, v0;
	v1 =	vld [tilespmem:s0+$0x30];
	(pc) =	sbr.rel @p0 .LBB2_10-.Ltmp4, $2  }
0xd8: {  	_ =	sdelay $0x2  }
0xd9: {  	[tilespmem:s9+$0x1B] =	vst v3;
	s9 =	sadd.s32 $0x6C, s9  }
0xda: {  	_ =	sdelay $0x3  }
0xdb: {  	[tilespmem:v2+s21+$0x0] =	vst.idx.msk $0x7ff, v1;
	s0 =	rddreg [dreg:$0x6]  }
0xdc: {  	[hbm4b:s0+s3] =	stream.linear.scatter [tilespmem:s21], [sflag:$0x5], $0xBD0, $0x38;
	[tilespmem:$0xE8E0] =	vst v63  }
0xdd: {  	_ =	swait.ge [sflag:s22], $0x5E80  }
0xde: {  	[sflag:s22] =	ssyncset.done $0x0  }
0xdf: {  	s12 =	rddreg [dreg:$0x7];
	[sflag:s22] =	ssyncadd.s32 $0xFFFFA180  }
0xe0: {  	[hbm4b:s12+s3] =	stream.linear.scatter [tilespmem:s20], [sflag:$0x6], $0x5E80, $0x38;
	[tilespmem:$0xE8E0] =	vst v63  }
0xe1: {  	_ =	swait.ge [sflag:s30], $0x5E80  }
0xe2: {  	[sflag:s30] =	ssyncset.done $0x0  }
0xe3: {  	[sflag:s30] =	ssyncadd.s32 $0xFFFFA180  }
0xe4: {  	[tilespmem:s23], [sflag:$0x3] =	stream.indirect.gather [hbm4b:s4+s19], $0x8, s21, s19, $0xb8;
	[tilespmem:$0xE8E0] =	vst v63  }
0xe5: {  	_ =	swait.ge [sflag:s25], $0x5E80  }
0xe6: {  	[sflag:s25] =	ssyncset.done $0x0  }
0xe7: {  	s29 =	rddreg [dreg:$0x8];
	[sflag:s25] =	ssyncadd.s32 $0xFFFFA180  }
0xe8: {  	[hbm4b:s29+s3] =	stream.linear.scatter [tilespmem:s23], [sflag:$0x7], $0x5E80, $0x38;
	[tilespmem:$0xE8E0] =	vst v63  }
0xe9: {  	_ =	swait.ge [sflag:s26], $0x5E80  }
0xea: {  	[sflag:s26] =	ssyncset.done $0x0  }
0xeb: {  	[sflag:s26] =	ssyncadd.s32 $0xFFFFA180  }
0xec: {  	_ =	swait.ge [sflag:s30], $0x5E80  }
0xed: {  	[sflag:s30] =	ssyncset.done $0x0  }
0xee: {  	s31 =	sadd.s32 $0x1, s31;
	[sflag:s30] =	ssyncadd.s32 $0xFFFFA180  }
0xef: {  	p0 =	sne.s32 s31, s13;
	_ =	swait.ge [sflag:s24], $0xBD0  }
.Ltmp5:
0xf0: {  	[sflag:s24] =	ssyncset.done $0x0;
	(pc) =	sbr.rel @p0 .LBB2_1-.Ltmp5, $4  }
0xf1: {  	[sflag:s24] =	ssyncadd.s32 $0xFFFFF430  }
0xf2: {  	_ =	swait.ge [sflag:s28], $0xBD0  }
0xf3: {  	[sflag:s28] =	ssyncset.done $0x0  }
0xf4: {  	[sflag:s28] =	ssyncadd.s32 $0xFFFFF430  }
0xf5: {  	_ =	sfence.sel $0x180000  }
0xf6: {  	[bflag:$0x0] =	sbarrier.arrive $0xFFFF  }
0xf7: {  	_ =	strace $0x90000047  }
0xf8: {  	s0 =	stileid.u32;
	[bflag:$0x2] =	sbarrier.arrive $0xFFFF  }
0xf9: {  	p0 =	sne.s32 s0, $0x0;
	s0 =	rddreg [dreg:$0x3]  }
0xfa: {  	s0 =	sadd.s32 @!p0 $0x100000, s0  }
0xfb: {  	[sflag:s0] =	ssyncadd.tile.s32 @!p0 $0x1;
	_ =	shalt  }
.Lfunc_end2:
_tile_overlayer_lowered:
.L_overlay_start_2:
0xfc: {  	(tag) =	ssettag $0x2  }
0xfd: {  	s0 =	rddreg [dreg:$0x0];
	s2 =	stileid.u32  }
0xfe: {  	s1 =	rddreg [dreg:$0x1];
	p0 =	sne.s32 s2, $0x0  }
0xff: {  	s3 =	rddreg [dreg:$0x2];
	[bflag:$0x3] =	sbarrier.arrive $0xFFFF;
	s2 =	simm.s32 @!p0 $0x1C08  }
0x100: {  	[timem:s3], [sflag:s2] =	dma.local @!p0 [hbm:s0], s1  }
0x101: {  	s0 =	simm.s32 @!p0 $0x8  }
0x102: {  	_ =	swait.ge @!p0 [sflag:s0], s1  }
0x103: {  	s1 =	ssub.s32 @!p0 $0x0, s1;
	[sflag:s0] =	ssyncset.done @!p0 $0x0  }
0x104: {  	[sflag:s0] =	ssyncadd.s32 @!p0 s1  }
0x105: {  	[bflag:$0x3] =	sbarrier.arrive $0xFFFF  }
0x106: {  	_ =	shalt  }

// kernel: kernel.9.cloned.1.call-start
scs
__scs_entry_jumppad:
0x0: {  	(pc) =	sbr.rel $0x88, $3  }
0x1: {  	(tag) =	ssettag $0x0;
	lr =	simm.s32 $0x1  }
0x2: {  	[smem:$0x3F99] =	sst lr;
	_ =	strace $0xD0000000  }
0x3: {  	_ = 	snop  }
0x4: {  	_ = 	snop  }
0x5: {  	_ = 	snop  }
0x6: {  	_ = 	snop  }
0x7: {  	_ = 	snop  }
__scs_overlays_trampoline_lowered:
0x8: {  	[smem:$0x3FA8] =	sst s0  }
0x9: {  	[smem:$0x3FA9] =	sst s1  }
0xa: {  	[smem:$0x3FAA] =	sst s2  }
0xb: {  	[smem:$0x3FAB] =	sst s3  }
0xc: {  	[smem:$0x3FAC] =	sst s4  }
0xd: {  	[smem:$0x3FAD] =	sst s5  }
0xe: {  	[smem:$0x3FAE] =	sst s6  }
0xf: {  	[smem:$0x3FAF] =	sst s7  }
0x10: {  	[smem:$0x3FB0] =	sst s8  }
0x11: {  	[smem:$0x3FB1] =	sst s9;
	s0 =	simm.s32 @!p0 $0x0  }
0x12: {  	s1 =	sld [smem:$0x3F97];
	s0 =	simm.s32 @p0 $0x1  }
0x13: {  	[smem:$0x3FB2] =	sst s0;
	s0 =	simm.s32 @!p1 $0x0  }
0x14: {  	s2 =	sld [smem:$0x3F96];
	s0 =	simm.s32 @p1 $0x1  }
0x15: {  	[smem:$0x3FB3] =	sst s0;
	s0 =	simm.s32 @!p2 $0x0  }
0x16: {  	s3 =	sld [smem:$0x3FDB];
	s0 =	simm.s32 @p2 $0x1  }
0x17: {  	s4 =	simm.s32 $0x1BF5;
	[smem:$0x3FB5] =	sst s0  }
0x18: {  	s0 =	sld [smem:$0x3F98];
	_ =	swait.ge [sflag:s4], $0x0  }
0x19: {  	s7 =	sld [smem:$0x3F99]  }
0x1a: {  	s8 =	sadd.s32 $0xFFFFE003, lr  }
0x1b: {  	s9 =	sadd.s32 $0xFFFFFEF7, lr;
	s5 =	simm.s32 $0xFFFFFFFF;
	p2 =	slt.u32 s8, $0xFFFFF086  }
0x1c: {  	p1 =	slt.u32 s9, $0xF7A;
	s5 =	simm.s32 @!p2 $0x0  }
0x1d: {  	s5 =	simm.s32 @p1 $0x1;
	p0 =	seq.s32 s7, s2  }
0x1e: {  	s7 =	smul.u32 @!p0 $0xF7A, s2;
	p2 =	seq.s32 @!p0 s5, $0x0  }
0x1f: {  	s9 =	smul.u32 $0xF7A, s1;
	s8 =	simm.s32 @!p0 $0x1BF5;
	p2 =	por !p2, p0  }
0x20: {  	[sflag:s8] =	ssyncset.s32 @!p0 $0xFFFFF086;
	s6 =	sadd.s32 @!p0 s3, s7;
	s7 =	simm.s32 @!p0 $0x108  }
0x21: {  	s3 =	sadd.s32 s3, s9;
	s6 =	sadd.s32 @!p0 $0x88, s6;
	s7 =	simm.s32 @p2 $0x1082  }
0x22: {  	[simem:s7], [sflag:s8] =	dma.local @!p0 [hbm:s6], $0xF7A  }
0x23: {  	s9 =	sor.u32 $0xD0000000, s2;
	s6 =	simm.s32 $0x108;
	_ =	swait.ge @!p0 [sflag:s8], $0x0  }
0x24: {  	s3 =	sadd.s32 $0x88, s3;
	s6 =	simm.s32 @!p1 $0x1082;
	[sflag:s4] =	ssyncset.s32 $0xFFFFF086  }
0x25: {  	[simem:s6], [sflag:s4] =	dma.local [hbm:s3], $0xF7A  }
0x26: {  	[smem:$0x3F99] =	sst s1;
	(tag) =	ssettag s2;
	_ =	strace s9  }
0x27: {  	s1 =	sld [smem:$0x3FA9]  }
0x28: {  	s2 =	sld [smem:$0x3FAA]  }
0x29: {  	s4 =	sld [smem:$0x3FAC]  }
0x2a: {  	p0 =	seq.s32 s5, $0x0;
	s5 =	sld [smem:$0x3FAD]  }
0x2b: {  	s6 =	sld [smem:$0x3FAE]  }
0x2c: {  	s7 =	sld [smem:$0x3FAF]  }
0x2d: {  	s3 =	simm.s32 $0x108;
	s8 =	sld [smem:$0x3FB0]  }
0x2e: {  	s3 =	simm.s32 @!p0 $0x1082;
	s9 =	sld [smem:$0x3FB1]  }
0x2f: {  	lr =	sadd.s32 s0, s3;
	s0 =	sld [smem:$0x3FA8]  }
0x30: {  	s3 =	sld [smem:$0x3FAB]  }
0x31: {  	[smem:$0x3FB4] =	sst s10  }
0x32: {  	s10 =	sld [smem:$0x3FB2];
	_ =	sdelay $0x3  }
0x33: {  	p0 =	seq.s32 s10, $0x1;
	s10 =	sld [smem:$0x3FB4];
	_ =	sdelay $0x3  }
0x34: {  	[smem:$0x3FB4] =	sst s10  }
0x35: {  	s10 =	sld [smem:$0x3FB3];
	_ =	sdelay $0x3  }
0x36: {  	p1 =	seq.s32 s10, $0x1;
	s10 =	sld [smem:$0x3FB4];
	_ =	sdelay $0x3  }
0x37: {  	[smem:$0x3FB4] =	sst s10  }
0x38: {  	s10 =	sld [smem:$0x3FB5]  }
0x39: {  	_ = 	snop;
	(pc) =	sbr.ind lr, $3  }
0x3a: {  	_ = 	snop  }
0x3b: {  	_ = 	snop  }
0x3c: {  	p2 =	seq.s32 s10, $0x1;
	s10 =	sld [smem:$0x3FB4]  }
0x3d: {  	_ =	shalt  }
0x3e: {  	_ =	shalt  }
0x3f: {  	_ =	shalt  }
0x40: {  	_ =	shalt  }
0x41: {  	_ =	shalt  }
0x42: {  	_ =	shalt  }
0x43: {  	_ =	shalt  }
0x44: {  	_ =	shalt  }
0x45: {  	_ =	shalt  }
0x46: {  	_ =	shalt  }
0x47: {  	_ =	shalt  }
0x48: {  	_ =	shalt  }
0x49: {  	_ =	shalt  }
0x4a: {  	_ =	shalt  }
0x4b: {  	_ =	shalt  }
0x4c: {  	_ =	shalt  }
0x4d: {  	_ =	shalt  }
0x4e: {  	_ =	shalt  }
0x4f: {  	_ =	shalt  }
0x50: {  	_ =	shalt  }
0x51: {  	_ =	shalt  }
0x52: {  	_ =	shalt  }
0x53: {  	_ =	shalt  }
0x54: {  	_ =	shalt  }
0x55: {  	_ =	shalt  }
0x56: {  	_ =	shalt  }
0x57: {  	_ =	shalt  }
0x58: {  	_ =	shalt  }
0x59: {  	_ =	shalt  }
0x5a: {  	_ =	shalt  }
0x5b: {  	_ =	shalt  }
0x5c: {  	_ =	shalt  }
0x5d: {  	_ =	shalt  }
0x5e: {  	_ =	shalt  }
0x5f: {  	_ =	shalt  }
0x60: {  	_ =	shalt  }
0x61: {  	_ =	shalt  }
0x62: {  	_ =	shalt  }
0x63: {  	_ =	shalt  }
0x64: {  	_ =	shalt  }
0x65: {  	_ =	shalt  }
0x66: {  	_ =	shalt  }
0x67: {  	_ =	shalt  }
0x68: {  	_ =	shalt  }
0x69: {  	_ =	shalt  }
0x6a: {  	_ =	shalt  }
0x6b: {  	_ =	shalt  }
0x6c: {  	_ =	shalt  }
0x6d: {  	_ =	shalt  }
0x6e: {  	_ =	shalt  }
0x6f: {  	_ =	shalt  }
0x70: {  	_ =	shalt  }
0x71: {  	_ =	shalt  }
0x72: {  	_ =	shalt  }
0x73: {  	_ =	shalt  }
0x74: {  	_ =	shalt  }
0x75: {  	_ =	shalt  }
0x76: {  	_ =	shalt  }
0x77: {  	_ =	shalt  }
0x78: {  	_ =	shalt  }
0x79: {  	_ =	shalt  }
0x7a: {  	_ =	shalt  }
0x7b: {  	_ =	shalt  }
0x7c: {  	_ =	shalt  }
0x7d: {  	_ =	shalt  }
0x7e: {  	_ =	shalt  }
0x7f: {  	_ =	shalt  }
0x80: {  	_ =	shalt  }
0x81: {  	_ =	shalt  }
0x82: {  	_ =	shalt  }
0x83: {  	_ =	shalt  }
0x84: {  	_ =	shalt  }
0x85: {  	_ =	shalt  }
0x86: {  	_ =	shalt  }
0x87: {  	_ =	shalt  }
.Lfunc_end0:
.L_simem_size_0:
called_computation.1_lowered:
.L_overlay_start_0:
0x88: {  	s2 =	sld [smem:$0x3FD9]  }
0x89: {  	s3 =	sld [smem:$0x3FFE];
	_ =	sdelay $0x1  }
0x8a: {  	s1 =	srdreg.scid  }
0x8b: {  	s0 =	sand.u32 $0x1, s1  }
0x8c: {  	s15 =	sshll.u32 s0, $0xA;
	s2 =	sadd.s32 s3, s2  }
0x8d: {  	s2 =	sadd.s32 s2, s15  }
0x8e: {  	[smem:$0x3FC0] =	sst s2  }
0x8f: {  	_ = 	snop  }
0x90: {  	s2 =	sld [smem:$0x3FD0];
	_ =	sdelay $0x2  }
0x91: {  	s5 =	simm.s32 $0xB;
	s16 =	simm.s32 $0x10  }
0x92: {  	[smem:s16], [sflag:s5] =	dma.local [hbm:s2], $0x1  }
0x93: {  	_ =	swait.eq [sflag:s5], $0x1  }
0x94: {  	s4 =	sld [smem:$0x10];
	[sflag:s5] =	ssyncset.done $0x0  }
0x95: {  	s17 =	sld [smem:$0x11];
	[sflag:s5] =	ssyncadd.s32 $0xFFFFFFFF  }
0x96: {  	s18 =	sld [smem:$0x13];
	(tm) =	ssettm $0x1  }
0x97: {  	s19 =	sld [smem:$0x3FFB];
	_ =	sdelay $0x3  }
0x98: {  	_ =	strace s19  }
0x99: {  	s2 =	sld [smem:$0x3FFC];
	_ =	sdelay $0x3  }
0x9a: {  	_ =	strace s2  }
0x9b: {  	s2 =	sld [smem:$0x3FFD];
	_ =	sdelay $0x3  }
0x9c: {  	_ =	strace s2  }
0x9d: {  	_ =	strace $0x8FFFFFFF  }
0x9e: {  	s20 =	sld [smem:$0x3FDB];
	_ =	sdelay $0x1  }
0x9f: {  	s6 =	simm.s32 $_scs_section_size  }
0xa0: {  	s7 =	simm.s32 $_size__tile_overlayer_lowered;
	s8 =	simm.s32 $_tile_overlayer_lowered  }
0xa1: {  	s9 =	simm.s32 $0x1BFF;
	s21 =	sshll.u32 s8, $0x1;
	s6 =	sadd.s32 s6, s20  }
0xa2: {  	s22 =	simm.s32 $0x0;
	s7 =	sshll.u32 s7, $0x1;
	s8 =	sadd.s32 s21, s6  }
0xa3: {  	[timem:s22], [sflag:s9] =	dma.local [hbm:s8], s7  }
0xa4: {  	_ =	swait.ge [sflag:s9], s7  }
0xa5: {  	s7 =	ssub.s32 $0x0, s7;
	[sflag:s9] =	ssyncset.done $0x0  }
0xa6: {  	[sflag:s9] =	ssyncadd.s32 s7;
	_ =	sdelay $0x1  }
0xa7: {  	s23 =	simm.s32 $0x1B8B  }
0xa8: {  	_ =	swait.ge [sflag:s23], $0x1  }
0xa9: {  	[sflag:s23] =	ssyncset.done $0x0  }
0xaa: {  	[sflag:s23] =	ssyncadd.s32 $0xFFFFFFFF  }
0xab: {  	s7 =	sld [smem:$0x0]  }
0xac: {  	s8 =	sand.u32 $0xFFFFFFFE, s1  }
0xad: {  	p0 =	sne.s32 s1, s8  }
0xae: {  	s8 =	sshll.u32 @p0 s8, $0xE  }
0xaf: {  	s8 =	sadd.s32 @p0 $0x11B8D, s8;
	s9 =	sshll.u32 @p0 s7, $0x11  }
0xb0: {  	s8 =	sor.u32 @p0 s9, s8  }
0xb1: {  	[sflag:s8] =	ssyncadd.remote.s32 @p0 $0x1;
	_ =	sdelay $0x1  }
0xb2: {  	s8 =	simm.s32 @p0 $0x1B8D  }
0xb3: {  	_ =	swait.eq @p0 [sflag:s8], $0x1  }
0xb4: {  	[sflag:s8] =	ssyncadd.s32 @p0 $0xFFFFFFFF  }
0xb5: {  	s9 =	sshll.u32 @!p0 s1, $0xE  }
0xb6: {  	s9 =	sor.u32 @!p0 $0x4000, s9;
	s8 =	simm.s32 @!p0 $0x1B8D  }
0xb7: {  	s7 =	sshll.u32 @!p0 s7, $0x11;
	s9 =	sadd.s32 @!p0 $0x11B8D, s9;
	_ =	swait.eq @!p0 [sflag:s8], $0x1  }
0xb8: {  	s7 =	sor.u32 @!p0 s7, s9;
	[sflag:s8] =	ssyncadd.s32 @!p0 $0xFFFFFFFF  }
0xb9: {  	s25 =	simm.s32 $0x1B8E;
	s24 =	sld [smem:$0x3FFE];
	[sflag:s7] =	ssyncadd.remote.s32 @!p0 $0x1  }
0xba: {  	s26 =	simm.s32 $execute0_lowered;
	[smem:$0x3FD2] =	sst s25  }
0xbb: {  	s8 =	sshll.u32 s26, $0x1;
	_ =	strace $0x80000049;
	[dreg:$0x1] =	wrdreg $0xFFFFFFFF  }
0xbc: {  	s28 =	simm.s32 $_size_execute0_lowered;
	s6 =	sadd.s32 s6, s8;
	[dreg:$0x0] =	wrdreg $0x0  }
0xbd: {  	s8 =	sshll.u32 s28, $0x1;
	[dreg:$0x2] =	wrdreg s6  }
0xbe: {  	[dreg:$0x3] =	wrdreg s8  }
0xbf: {  	[dreg:$0x4] =	wrdreg $0xC0  }
0xc0: {  	_ =	task [dreg:s22], $0x5FFFF  }
0xc1: {  	[dreg:$0x1] =	wrdreg $0xFFFFFFFF  }
0xc2: {  	[dreg:$0x0] =	wrdreg $0x60  }
0xc3: {  	[dreg:$0x2] =	wrdreg s18  }
0xc4: {  	[dreg:$0x3] =	wrdreg s4  }
0xc5: {  	[dreg:$0x4] =	wrdreg s24  }
0xc6: {  	[dreg:$0x5] =	wrdreg s17  }
0xc7: {  	[dreg:$0x6] =	wrdreg $0xA  }
0xc8: {  	_ =	task.clear_ibuf [dreg:s22], $0x7FFFF;
	_ =	strace $0x90000049  }
0xc9: {  	s29 =	simm.s32 $0xA;
	_ =	strace $0x8000004B  }
0xca: {  	_ =	swait.ge [sflag:s29], $0x1  }
0xcb: {  	[sflag:s29] =	ssyncadd.s32 $0xFFFFFFFF  }
0xcc: {  	_ =	strace $0x9000004B  }
0xcd: {  	_ =	sfence  }
0xce: {  	s30 =	sld [smem:$0x0];
	_ =	sdelay $0x2  }
0xcf: {  	s31 =	sshll.u32 s1, $0xD;
	s1 =	sshrl.u32 s1, $0x2  }
0xd0: {  	s4 =	sand.u32 $0x4000, s31;
	s1 =	sadd.s32 s1, s30  }
0xd1: {  	s0 =	sor.u32 s4, s0;
	s1 =	sshll.u32 s1, $0x11  }
0xd2: {  	s0 =	sor.u32 s1, s0  }
0xd3: {  	s0 =	sadd.s32 $0x8F2B, s0  }
0xd4: {  	[sflag:s0] =	ssyncadd.remote.s32 $0x1  }
0xd5: {  	_ =	sfence.sel $0xFFFF  }
0xd6: {  	[dreg:$0x0] =	wrdreg $0xFFFFFFFF;
	(pc) =	sbr.abs _section_cstart, $3  }
0xd7: {  	[dreg:$0x1] =	wrdreg $0xFFFFFFFF  }
0xd8: {  	_ =	task.clear_ibuf [dreg:s22], $0x2FFFF;
	_ =	strace $0x9FFFFFFF  }
0xd9: {  	(tm) =	ssettm $0x7FFFFFFF  }
tec
execute0_lowered:
.L_overlay_start_1:
0x0: {  	(tag) =	ssettag $0x1  }
0x1: {  	s1 =	rddreg [dreg:$0x0]  }
0x2: {  	s0 =	rddreg [dreg:$0x1]  }
0x3: {  	s2 =	rddreg [dreg:$0x2]  }
0x4: {  	s3 =	rddreg [dreg:$0x3];
	s5 =	srdreg.scid  }
0x5: {  	s6 =	stileid.u32;
	s4 =	simm.s32 $0x0;
	s14 =	simm.s32 $0x8  }
0x6: {  	s15 =	simm.s32 $0x70;
	s16 =	simm.s32 $0x620;
	s17 =	simm.s32 $0x1  }
0x7: {  	s18 =	simm.s32 $0x1420;
	s19 =	simm.s32 $0xBD0;
	s20 =	simm.s32 $0x2BE0  }
0x8: {  	s28 =	simm.s32 $0x5;
	s7 =	sand.u32 $0x1, s5;
	s21 =	sshll.u32 s6, $0x1  }
0x9: {  	s30 =	simm.s32 $0x7;
	s31 =	simm.s32 $0x0;
	s8 =	sor.u32 s7, s21  }
0xa: {  	[smem:$0x7FF] =	sst s4;
	s6 =	sadd.s32 $0x2A00, s2;
	s5 =	smul.u32 $0x620, s8  }
0xb: {  	_ =	strace $0x8000004A;
	s9 =	ssub.s32 $0x2, s7;
	s10 =	smul.u32 $0xA560, s8  }
0xc: {  	s7 =	sadd.s32 $0x18F400, s2;
	s22 =	sshrl.u32 s9, $0x1;
	s11 =	smul.u32 $0xA5600, s8  }
0xd: {  	s21 =	simm.s32 $0x2000;
	s8 =	smul.u32 $0x14AC, s8;
	s2 =	ssub.s32 s9, s22  }
0xe: {  	s22 =	simm.s32 $0x2;
	s23 =	sshrl.u32 s5, $0x3;
	s24 =	sadd.s32 $0x9990, s10  }
0xf: {  	s25 =	sshrl.u32 s11, $0x4;
	s8 =	sadd.s32 s3, s8;
	s13 =	smax.u32 s2, $0x1  }
0x10: {  	s0 =	sadd.s32 s0, s23;
	[dreg:$0x6] =	wrdreg s8;
	s26 =	sshrl.u32 s24, $0x3  }
0x11: {  	s9 =	sadd.s32 s7, s25;
	[dreg:$0x5] =	wrdreg s0;
	s8 =	sadd.s32 s3, s26  }
0x12: {  	s23 =	simm.s32 $0x8A60;
	s29 =	sadd.s32 $0x8DC0, s9;
	[dreg:$0x7] =	wrdreg s8  }
0x13: {  	s25 =	simm.s32 $0x3;
	s0 =	sadd.s32 s7, s24;
	[dreg:$0x8] =	wrdreg s29  }
0x14: {  	v0 =	vlaneseq.u32;
	s24 =	simm.s32 $0x4;
	s26 =	simm.s32 $0x6;
	[dreg:$0x9] =	wrdreg s0  }
.LBB2_1:
0x15: {  	s0 =	rddreg [dreg:$0x5]  }
0x16: {  	[tilespmem:s4], [sflag:$0x8] =	stream.linear.gather [hbm4b:s0+s4], $0x620, $0x38;
	[tilespmem:$0xE8E0] =	vst v63  }
0x17: {  	_ =	swait.ge [sflag:s14], $0x620  }
0x18: {  	[sflag:s14] =	ssyncset.done $0x0  }
0x19: {  	[sflag:s14] =	ssyncadd.s32 $0xFFFFF9E0  }
0x1a: {  	[tilespmem:s16], [sflag:$0x1] =	stream.indirect.gather [hbm4b:s1+s15], $0x20, s4, s15, $0xb8;
	[tilespmem:$0xE8E0] =	vst v63  }
0x1b: {  	_ =	swait.ge [sflag:s17], $0xE00  }
0x1c: {  	[sflag:s17] =	ssyncset.done $0x0  }
0x1d: {  	s0 =	simm.s32 $0x660;
	[sflag:s17] =	ssyncadd.s32 $0xFFFFF200  }
0x1e: {  	s2 =	simm.s32 $0x10;
	v1 =	vld [tilespmem:s0+$0xFFFFFFC0]  }
0x1f: {  	v3 =	vadd.s32 s2, v0;
	v2 =	vld [tilespmem:s0+$0xFFFFFFD0];
	_ =	sdelay $0x2  }
0x20: {  	s9 =	simm.s32 $0x1456  }
0x21: {  	[tilespmem:s9+$0xFFFFFFCA] =	vst v1  }
0x22: {  	[tilespmem:v3+s18+$0x0] =	vst.idx.msk $0x7ff, v2  }
0x23: {  	s12 =	simm.s32 $0x2B;
	v1 =	vld [tilespmem:s0+$0xFFFFFFE0]  }
0x24: {  	v3 =	vadd.s32 s12, v0;
	v2 =	vld [tilespmem:s0+$0xFFFFFFF0];
	_ =	sdelay $0x3  }
0x25: {  	[tilespmem:s9+$0xFFFFFFE5] =	vst v1  }
0x26: {  	[tilespmem:v3+s18+$0x0] =	vst.idx.msk $0x7ff, v2  }
0x27: {  	s29 =	simm.s32 $0x46;
	v1 =	vld [tilespmem:s0+$0x0]  }
0x28: {  	v3 =	vadd.s32 s29, v0;
	v2 =	vld [tilespmem:s0+$0x10];
	_ =	sdelay $0x3  }
0x29: {  	[tilespmem:s9+$0x0] =	vst v1  }
0x2a: {  	[tilespmem:v3+s18+$0x0] =	vst.idx.msk $0x7ff, v2  }
0x2b: {  	s2 =	simm.s32 $0x61;
	v3 =	vld [tilespmem:s0+$0x20]  }
0x2c: {  	v2 =	vadd.s32 s2, v0;
	v1 =	vld [tilespmem:s0+$0x30];
	_ =	sdelay $0x3  }
0x2d: {  	s8 =	simm.s32 $0x0;
	[tilespmem:s9+$0x1B] =	vst v3;
	s9 =	simm.s32 $0x14C2  }
.LBB2_2:
0x2e: {  	s8 =	sadd.s32 $0x4, s8;
	[tilespmem:v2+s18+$0x0] =	vst.idx.msk $0x7ff, v1;
	s2 =	sadd.s32 $0x6C, s2;
	s0 =	sadd.s32 $0x80, s0  }
0x2f: {  	v1 =	vld [tilespmem:s0+$0xFFFFFFC0];
	s10 =	sadd.s32 $0xFFFFFFAF, s2;
	p0 =	slt.u32 s8, $0x6C  }
0x30: {  	v2 =	vld [tilespmem:s0+$0xFFFFFFD0];
	v3 =	vadd.s32 s10, v0;
	_ =	sdelay $0x3  }
0x31: {  	[tilespmem:s9+$0xFFFFFFCA] =	vst v1  }
0x32: {  	[tilespmem:v3+s18+$0x0] =	vst.idx.msk $0x7ff, v2  }
0x33: {  	s10 =	sadd.s32 $0xFFFFFFCA, s2;
	v1 =	vld [tilespmem:s0+$0xFFFFFFE0]  }
0x34: {  	v3 =	vadd.s32 s10, v0;
	v2 =	vld [tilespmem:s0+$0xFFFFFFF0];
	_ =	sdelay $0x3  }
0x35: {  	[tilespmem:s9+$0xFFFFFFE5] =	vst v1  }
0x36: {  	[tilespmem:v3+s18+$0x0] =	vst.idx.msk $0x7ff, v2  }
0x37: {  	s10 =	sadd.s32 $0xFFFFFFE5, s2;
	v1 =	vld [tilespmem:s0+$0x0]  }
0x38: {  	v3 =	vadd.s32 s10, v0;
	v2 =	vld [tilespmem:s0+$0x10];
	_ =	sdelay $0x3  }
0x39: {  	[tilespmem:s9+$0x0] =	vst v1  }
0x3a: {  	[tilespmem:v3+s18+$0x0] =	vst.idx.msk $0x7ff, v2  }
0x3b: {  	v3 =	vld [tilespmem:s0+$0x20]  }
.Ltmp0:
0x3c: {  	v2 =	vadd.s32 s2, v0;
	v1 =	vld [tilespmem:s0+$0x30];
	(pc) =	sbr.rel @p0 .LBB2_2-.Ltmp0, $2  }
0x3d: {  	_ =	sdelay $0x2  }
0x3e: {  	[tilespmem:s9+$0x1B] =	vst v3;
	s9 =	sadd.s32 $0x6C, s9  }
0x3f: {  	_ =	sdelay $0x3  }
0x40: {  	[tilespmem:v2+s18+$0x0] =	vst.idx.msk $0x7ff, v1;
	s0 =	simm.s32 $0x0;
	s2 =	rddreg [dreg:$0x6]  }
0x41: {  	[hbm4b:s2+s0] =	stream.linear.scatter [tilespmem:s18], [sflag:$0x4], $0xBD0, $0x38;
	[tilespmem:$0xE8E0] =	vst v63  }
0x42: {  	_ = 	snop  }
0x43: {  	[tilespmem:s20], [sflag:$0x2] =	stream.indirect.gather [hbm4b:s6+s19], $0x8, s18, s19, $0xb8;
	[tilespmem:$0xE8E0] =	vst v63  }
.LBB2_4:
0x44: {  	p0 =	seq.s32 s0, $0x0  }
0x45: {  	s2 =	simm.s32 @!p0 $0x5  }
0x46: {  	s29 =	smul.u32 $0xE0, s0;
	_ =	swait.ge @!p0 [sflag:s2], $0xBD0  }
0x47: {  	[sflag:s2] =	ssyncset.done @!p0 $0x0  }
0x48: {  	[sflag:s2] =	ssyncadd.s32 @!p0 $0xFFFFF430;
	s2 =	sadd.s32 $0x70, s29  }
0x49: {  	[tilespmem:s16], [sflag:$0x1] =	stream.indirect.gather [hbm4b:s1+s15], $0x20, s2, s15, $0xb8;
	[tilespmem:$0xE8E0] =	vst v63  }
0x4a: {  	_ =	swait.ge [sflag:s17], $0xE00  }
0x4b: {  	[sflag:s17] =	ssyncset.done $0x0  }
0x4c: {  	s8 =	simm.s32 $0x660;
	[sflag:s17] =	ssyncadd.s32 $0xFFFFF200  }
0x4d: {  	s9 =	simm.s32 $0x10;
	v1 =	vld [tilespmem:s8+$0xFFFFFFC0]  }
0x4e: {  	v3 =	vadd.s32 s9, v0;
	v2 =	vld [tilespmem:s8+$0xFFFFFFD0];
	_ =	sdelay $0x2  }
0x4f: {  	s11 =	simm.s32 $0x2036  }
0x50: {  	[tilespmem:s11+$0xFFFFFFCA] =	vst v1  }
0x51: {  	[tilespmem:v3+s21+$0x0] =	vst.idx.msk $0x7ff, v2  }
0x52: {  	s10 =	simm.s32 $0x2B;
	v1 =	vld [tilespmem:s8+$0xFFFFFFE0]  }
0x53: {  	v3 =	vadd.s32 s10, v0;
	v2 =	vld [tilespmem:s8+$0xFFFFFFF0];
	_ =	sdelay $0x3  }
0x54: {  	[tilespmem:s11+$0xFFFFFFE5] =	vst v1  }
0x55: {  	[tilespmem:v3+s21+$0x0] =	vst.idx.msk $0x7ff, v2  }
0x56: {  	s12 =	simm.s32 $0x46;
	v1 =	vld [tilespmem:s8+$0x0]  }
0x57: {  	v3 =	vadd.s32 s12, v0;
	v2 =	vld [tilespmem:s8+$0x10];
	_ =	sdelay $0x3  }
0x58: {  	[tilespmem:s11+$0x0] =	vst v1  }
0x59: {  	[tilespmem:v3+s21+$0x0] =	vst.idx.msk $0x7ff, v2  }
0x5a: {  	s9 =	simm.s32 $0x61;
	v3 =	vld [tilespmem:s8+$0x20]  }
0x5b: {  	v2 =	vadd.s32 s9, v0;
	v1 =	vld [tilespmem:s8+$0x30];
	_ =	sdelay $0x3  }
0x5c: {  	s10 =	simm.s32 $0x0;
	[tilespmem:s11+$0x1B] =	vst v3;
	s11 =	simm.s32 $0x20A2  }
.LBB2_5:
0x5d: {  	s10 =	sadd.s32 $0x4, s10;
	[tilespmem:v2+s21+$0x0] =	vst.idx.msk $0x7ff, v1;
	s9 =	sadd.s32 $0x6C, s9;
	s8 =	sadd.s32 $0x80, s8  }
0x5e: {  	v1 =	vld [tilespmem:s8+$0xFFFFFFC0];
	s12 =	sadd.s32 $0xFFFFFFAF, s9;
	p1 =	slt.u32 s10, $0x6C  }
0x5f: {  	v2 =	vld [tilespmem:s8+$0xFFFFFFD0];
	v3 =	vadd.s32 s12, v0;
	_ =	sdelay $0x3  }
0x60: {  	[tilespmem:s11+$0xFFFFFFCA] =	vst v1  }
0x61: {  	[tilespmem:v3+s21+$0x0] =	vst.idx.msk $0x7ff, v2  }
0x62: {  	s12 =	sadd.s32 $0xFFFFFFCA, s9;
	v1 =	vld [tilespmem:s8+$0xFFFFFFE0]  }
0x63: {  	v3 =	vadd.s32 s12, v0;
	v2 =	vld [tilespmem:s8+$0xFFFFFFF0];
	_ =	sdelay $0x3  }
0x64: {  	[tilespmem:s11+$0xFFFFFFE5] =	vst v1  }
0x65: {  	[tilespmem:v3+s21+$0x0] =	vst.idx.msk $0x7ff, v2  }
0x66: {  	s12 =	sadd.s32 $0xFFFFFFE5, s9;
	v1 =	vld [tilespmem:s8+$0x0]  }
0x67: {  	v3 =	vadd.s32 s12, v0;
	v2 =	vld [tilespmem:s8+$0x10];
	_ =	sdelay $0x3  }
0x68: {  	[tilespmem:s11+$0x0] =	vst v1  }
0x69: {  	[tilespmem:v3+s21+$0x0] =	vst.idx.msk $0x7ff, v2  }
0x6a: {  	v3 =	vld [tilespmem:s8+$0x20]  }
.Ltmp1:
0x6b: {  	v2 =	vadd.s32 s9, v0;
	v1 =	vld [tilespmem:s8+$0x30];
	(pc) =	sbr.rel @p1 .LBB2_5-.Ltmp1, $2  }
0x6c: {  	_ =	sdelay $0x2  }
0x6d: {  	[tilespmem:s11+$0x1B] =	vst v3;
	s11 =	sadd.s32 $0x6C, s11  }
0x6e: {  	s2 =	sadd.s32 s5, s2  }
0x6f: {  	s2 =	smul.u32 $0x1B, s2;
	_ =	sdelay $0x1  }
0x70: {  	s8 =	sshrl.u32 s2, $0x3  }
0x71: {  	[tilespmem:v2+s21+$0x0] =	vst.idx.msk $0x7ff, v1;
	s9 =	sadd.s32 s5, s29;
	s8 =	sadd.s32 s3, s8  }
0x72: {  	[hbm4b:s8+s4] =	stream.linear.scatter [tilespmem:s21], [sflag:$0x5], $0xBD0, $0x38;
	[tilespmem:$0xE8E0] =	vst v63  }
0x73: {  	s8 =	smul.u32 $0x1B, s9;
	_ =	swait.ge [sflag:s22], $0x5E80  }
0x74: {  	[sflag:s22] =	ssyncset.done $0x0  }
0x75: {  	s8 =	sadd.s32 s7, s8;
	[sflag:s22] =	ssyncadd.s32 $0xFFFFA180  }
0x76: {  	[hbm4b:s8+s4] =	stream.linear.scatter [tilespmem:s20], [sflag:$0x6], $0x5E80, $0x38;
	[tilespmem:$0xE8E0] =	vst v63  }
0x77: {  	s8 =	simm.s32 @!p0 $0x7  }
0x78: {  	_ =	swait.ge @!p0 [sflag:s8], $0x5E80  }
0x79: {  	[sflag:s8] =	ssyncset.done @!p0 $0x0  }
0x7a: {  	[sflag:s8] =	ssyncadd.s32 @!p0 $0xFFFFA180  }
0x7b: {  	[tilespmem:s23], [sflag:$0x3] =	stream.indirect.gather [hbm4b:s6+s19], $0x8, s21, s19, $0xb8;
	[tilespmem:$0xE8E0] =	vst v63  }
0x7c: {  	_ =	swait.ge [sflag:s24], $0xBD0  }
0x7d: {  	[sflag:s24] =	ssyncset.done $0x0  }
0x7e: {  	s29 =	sadd.s32 $0xE0, s29;
	[sflag:s24] =	ssyncadd.s32 $0xFFFFF430  }
0x7f: {  	[tilespmem:s16], [sflag:$0x1] =	stream.indirect.gather [hbm4b:s1+s15], $0x20, s29, s15, $0xb8;
	[tilespmem:$0xE8E0] =	vst v63  }
0x80: {  	_ =	swait.ge [sflag:s17], $0xE00  }
0x81: {  	[sflag:s17] =	ssyncset.done $0x0  }
0x82: {  	s8 =	simm.s32 $0x660;
	[sflag:s17] =	ssyncadd.s32 $0xFFFFF200  }
0x83: {  	s9 =	simm.s32 $0x10;
	v1 =	vld [tilespmem:s8+$0xFFFFFFC0]  }
0x84: {  	v3 =	vadd.s32 s9, v0;
	v2 =	vld [tilespmem:s8+$0xFFFFFFD0];
	_ =	sdelay $0x2  }
0x85: {  	s11 =	simm.s32 $0x1456  }
0x86: {  	[tilespmem:s11+$0xFFFFFFCA] =	vst v1  }
0x87: {  	[tilespmem:v3+s18+$0x0] =	vst.idx.msk $0x7ff, v2  }
0x88: {  	s10 =	simm.s32 $0x2B;
	v1 =	vld [tilespmem:s8+$0xFFFFFFE0]  }
0x89: {  	v3 =	vadd.s32 s10, v0;
	v2 =	vld [tilespmem:s8+$0xFFFFFFF0];
	_ =	sdelay $0x3  }
0x8a: {  	[tilespmem:s11+$0xFFFFFFE5] =	vst v1  }
0x8b: {  	[tilespmem:v3+s18+$0x0] =	vst.idx.msk $0x7ff, v2  }
0x8c: {  	s12 =	simm.s32 $0x46;
	v1 =	vld [tilespmem:s8+$0x0]  }
0x8d: {  	v3 =	vadd.s32 s12, v0;
	v2 =	vld [tilespmem:s8+$0x10];
	_ =	sdelay $0x3  }
0x8e: {  	[tilespmem:s11+$0x0] =	vst v1  }
0x8f: {  	[tilespmem:v3+s18+$0x0] =	vst.idx.msk $0x7ff, v2  }
0x90: {  	s9 =	simm.s32 $0x61;
	v3 =	vld [tilespmem:s8+$0x20]  }
0x91: {  	v2 =	vadd.s32 s9, v0;
	v1 =	vld [tilespmem:s8+$0x30];
	_ =	sdelay $0x3  }
0x92: {  	s10 =	simm.s32 $0x0;
	[tilespmem:s11+$0x1B] =	vst v3;
	s11 =	simm.s32 $0x14C2  }
.LBB2_7:
0x93: {  	s10 =	sadd.s32 $0x4, s10;
	[tilespmem:v2+s18+$0x0] =	vst.idx.msk $0x7ff, v1;
	s9 =	sadd.s32 $0x6C, s9;
	s8 =	sadd.s32 $0x80, s8  }
0x94: {  	v1 =	vld [tilespmem:s8+$0xFFFFFFC0];
	s12 =	sadd.s32 $0xFFFFFFAF, s9;
	p0 =	slt.u32 s10, $0x6C  }
0x95: {  	v2 =	vld [tilespmem:s8+$0xFFFFFFD0];
	v3 =	vadd.s32 s12, v0;
	_ =	sdelay $0x3  }
0x96: {  	[tilespmem:s11+$0xFFFFFFCA] =	vst v1  }
0x97: {  	[tilespmem:v3+s18+$0x0] =	vst.idx.msk $0x7ff, v2  }
0x98: {  	s12 =	sadd.s32 $0xFFFFFFCA, s9;
	v1 =	vld [tilespmem:s8+$0xFFFFFFE0]  }
0x99: {  	v3 =	vadd.s32 s12, v0;
	v2 =	vld [tilespmem:s8+$0xFFFFFFF0];
	_ =	sdelay $0x3  }
0x9a: {  	[tilespmem:s11+$0xFFFFFFE5] =	vst v1  }
0x9b: {  	[tilespmem:v3+s18+$0x0] =	vst.idx.msk $0x7ff, v2  }
0x9c: {  	s12 =	sadd.s32 $0xFFFFFFE5, s9;
	v1 =	vld [tilespmem:s8+$0x0]  }
0x9d: {  	v3 =	vadd.s32 s12, v0;
	v2 =	vld [tilespmem:s8+$0x10];
	_ =	sdelay $0x3  }
0x9e: {  	[tilespmem:s11+$0x0] =	vst v1  }
0x9f: {  	[tilespmem:v3+s18+$0x0] =	vst.idx.msk $0x7ff, v2  }
0xa0: {  	v3 =	vld [tilespmem:s8+$0x20]  }
.Ltmp2:
0xa1: {  	v2 =	vadd.s32 s9, v0;
	v1 =	vld [tilespmem:s8+$0x30];
	(pc) =	sbr.rel @p0 .LBB2_7-.Ltmp2, $2  }
0xa2: {  	_ =	sdelay $0x2  }
0xa3: {  	[tilespmem:s11+$0x1B] =	vst v3;
	s11 =	sadd.s32 $0x6C, s11  }
0xa4: {  	s8 =	sadd.s32 s5, s29  }
0xa5: {  	s8 =	smul.u32 $0x1B, s8;
	_ =	sdelay $0x1  }
0xa6: {  	s8 =	sshrl.u32 s8, $0x3  }
0xa7: {  	[tilespmem:v2+s18+$0x0] =	vst.idx.msk $0x7ff, v1;
	s8 =	sadd.s32 s3, s8  }
0xa8: {  	[hbm4b:s8+s4] =	stream.linear.scatter [tilespmem:s18], [sflag:$0x4], $0xBD0, $0x38;
	[tilespmem:$0xE8E0] =	vst v63  }
0xa9: {  	_ =	swait.ge [sflag:s25], $0x5E80  }
0xaa: {  	s0 =	sadd.s32 $0x1, s0;
	[sflag:s25] =	ssyncset.done $0x0  }
0xab: {  	s2 =	sadd.s32 s7, s2;
	p0 =	sne.s32 s0, $0x6;
	[sflag:s25] =	ssyncadd.s32 $0xFFFFA180  }
0xac: {  	[hbm4b:s2+s4] =	stream.linear.scatter [tilespmem:s23], [sflag:$0x7], $0x5E80, $0x38;
	[tilespmem:$0xE8E0] =	vst v63  }
.Ltmp3:
0xad: {  	_ = 	snop;
	(pc) =	sbr.rel @p0 .LBB2_4-.Ltmp3, $4  }
0xae: {  	_ =	swait.ge [sflag:s26], $0x5E80  }
0xaf: {  	[sflag:s26] =	ssyncset.done $0x0  }
0xb0: {  	[sflag:s26] =	ssyncadd.s32 $0xFFFFA180  }
0xb1: {  	[tilespmem:s20], [sflag:$0x2] =	stream.indirect.gather [hbm4b:s6+s19], $0x8, s18, s19, $0xb8;
	[tilespmem:$0xE8E0] =	vst v63  }
0xb2: {  	_ =	swait.ge [sflag:s28], $0xBD0  }
0xb3: {  	[sflag:s28] =	ssyncset.done $0x0  }
0xb4: {  	s0 =	simm.s32 $0x5B0;
	[sflag:s28] =	ssyncadd.s32 $0xFFFFF430  }
0xb5: {  	[tilespmem:s16], [sflag:$0x1] =	stream.indirect.gather [hbm4b:s1+s15], $0x20, s0, s15, $0xb8;
	[tilespmem:$0xE8E0] =	vst v63  }
0xb6: {  	_ =	swait.ge [sflag:s17], $0xE00  }
0xb7: {  	[sflag:s17] =	ssyncset.done $0x0  }
0xb8: {  	s0 =	simm.s32 $0x660;
	[sflag:s17] =	ssyncadd.s32 $0xFFFFF200  }
0xb9: {  	s2 =	simm.s32 $0x10;
	v1 =	vld [tilespmem:s0+$0xFFFFFFC0]  }
0xba: {  	v3 =	vadd.s32 s2, v0;
	v2 =	vld [tilespmem:s0+$0xFFFFFFD0];
	_ =	sdelay $0x2  }
0xbb: {  	s9 =	simm.s32 $0x2036  }
0xbc: {  	[tilespmem:s9+$0xFFFFFFCA] =	vst v1  }
0xbd: {  	[tilespmem:v3+s21+$0x0] =	vst.idx.msk $0x7ff, v2  }
0xbe: {  	s12 =	simm.s32 $0x2B;
	v1 =	vld [tilespmem:s0+$0xFFFFFFE0]  }
0xbf: {  	v3 =	vadd.s32 s12, v0;
	v2 =	vld [tilespmem:s0+$0xFFFFFFF0];
	_ =	sdelay $0x3  }
0xc0: {  	[tilespmem:s9+$0xFFFFFFE5] =	vst v1  }
0xc1: {  	[tilespmem:v3+s21+$0x0] =	vst.idx.msk $0x7ff, v2  }
0xc2: {  	s29 =	simm.s32 $0x46;
	v1 =	vld [tilespmem:s0+$0x0]  }
0xc3: {  	v3 =	vadd.s32 s29, v0;
	v2 =	vld [tilespmem:s0+$0x10];
	_ =	sdelay $0x3  }
0xc4: {  	[tilespmem:s9+$0x0] =	vst v1  }
0xc5: {  	[tilespmem:v3+s21+$0x0] =	vst.idx.msk $0x7ff, v2  }
0xc6: {  	s2 =	simm.s32 $0x61;
	v3 =	vld [tilespmem:s0+$0x20]  }
0xc7: {  	v2 =	vadd.s32 s2, v0;
	v1 =	vld [tilespmem:s0+$0x30];
	_ =	sdelay $0x3  }
0xc8: {  	s8 =	simm.s32 $0x0;
	[tilespmem:s9+$0x1B] =	vst v3;
	s9 =	simm.s32 $0x20A2  }
.LBB2_10:
0xc9: {  	s8 =	sadd.s32 $0x4, s8;
	[tilespmem:v2+s21+$0x0] =	vst.idx.msk $0x7ff, v1;
	s2 =	sadd.s32 $0x6C, s2;
	s0 =	sadd.s32 $0x80, s0  }
0xca: {  	v1 =	vld [tilespmem:s0+$0xFFFFFFC0];
	s10 =	sadd.s32 $0xFFFFFFAF, s2;
	p0 =	slt.u32 s8, $0x6C  }
0xcb: {  	v2 =	vld [tilespmem:s0+$0xFFFFFFD0];
	v3 =	vadd.s32 s10, v0;
	_ =	sdelay $0x3  }
0xcc: {  	[tilespmem:s9+$0xFFFFFFCA] =	vst v1  }
0xcd: {  	[tilespmem:v3+s21+$0x0] =	vst.idx.msk $0x7ff, v2  }
0xce: {  	s10 =	sadd.s32 $0xFFFFFFCA, s2;
	v1 =	vld [tilespmem:s0+$0xFFFFFFE0]  }
0xcf: {  	v3 =	vadd.s32 s10, v0;
	v2 =	vld [tilespmem:s0+$0xFFFFFFF0];
	_ =	sdelay $0x3  }
0xd0: {  	[tilespmem:s9+$0xFFFFFFE5] =	vst v1  }
0xd1: {  	[tilespmem:v3+s21+$0x0] =	vst.idx.msk $0x7ff, v2  }
0xd2: {  	s10 =	sadd.s32 $0xFFFFFFE5, s2;
	v1 =	vld [tilespmem:s0+$0x0]  }
0xd3: {  	v3 =	vadd.s32 s10, v0;
	v2 =	vld [tilespmem:s0+$0x10];
	_ =	sdelay $0x3  }
0xd4: {  	[tilespmem:s9+$0x0] =	vst v1  }
0xd5: {  	[tilespmem:v3+s21+$0x0] =	vst.idx.msk $0x7ff, v2  }
0xd6: {  	v3 =	vld [tilespmem:s0+$0x20]  }
.Ltmp4:
0xd7: {  	v2 =	vadd.s32 s2, v0;
	v1 =	vld [tilespmem:s0+$0x30];
	(pc) =	sbr.rel @p0 .LBB2_10-.Ltmp4, $2  }
0xd8: {  	_ =	sdelay $0x2  }
0xd9: {  	[tilespmem:s9+$0x1B] =	vst v3;
	s9 =	sadd.s32 $0x6C, s9  }
0xda: {  	_ =	sdelay $0x3  }
0xdb: {  	[tilespmem:v2+s21+$0x0] =	vst.idx.msk $0x7ff, v1;
	s0 =	rddreg [dreg:$0x7]  }
0xdc: {  	[hbm4b:s0+s4] =	stream.linear.scatter [tilespmem:s21], [sflag:$0x5], $0xBD0, $0x38;
	[tilespmem:$0xE8E0] =	vst v63  }
0xdd: {  	_ =	swait.ge [sflag:s22], $0x5E80  }
0xde: {  	[sflag:s22] =	ssyncset.done $0x0  }
0xdf: {  	s12 =	rddreg [dreg:$0x8];
	[sflag:s22] =	ssyncadd.s32 $0xFFFFA180  }
0xe0: {  	[hbm4b:s12+s4] =	stream.linear.scatter [tilespmem:s20], [sflag:$0x6], $0x5E80, $0x38;
	[tilespmem:$0xE8E0] =	vst v63  }
0xe1: {  	_ =	swait.ge [sflag:s30], $0x5E80  }
0xe2: {  	[sflag:s30] =	ssyncset.done $0x0  }
0xe3: {  	[sflag:s30] =	ssyncadd.s32 $0xFFFFA180  }
0xe4: {  	[tilespmem:s23], [sflag:$0x3] =	stream.indirect.gather [hbm4b:s6+s19], $0x8, s21, s19, $0xb8;
	[tilespmem:$0xE8E0] =	vst v63  }
0xe5: {  	_ =	swait.ge [sflag:s25], $0x5E80  }
0xe6: {  	[sflag:s25] =	ssyncset.done $0x0  }
0xe7: {  	s29 =	rddreg [dreg:$0x9];
	[sflag:s25] =	ssyncadd.s32 $0xFFFFA180  }
0xe8: {  	[hbm4b:s29+s4] =	stream.linear.scatter [tilespmem:s23], [sflag:$0x7], $0x5E80, $0x38;
	[tilespmem:$0xE8E0] =	vst v63  }
0xe9: {  	_ =	swait.ge [sflag:s26], $0x5E80  }
0xea: {  	[sflag:s26] =	ssyncset.done $0x0  }
0xeb: {  	[sflag:s26] =	ssyncadd.s32 $0xFFFFA180  }
0xec: {  	_ =	swait.ge [sflag:s30], $0x5E80  }
0xed: {  	[sflag:s30] =	ssyncset.done $0x0  }
0xee: {  	s31 =	sadd.s32 $0x1, s31;
	[sflag:s30] =	ssyncadd.s32 $0xFFFFA180  }
0xef: {  	p0 =	sne.s32 s31, s13;
	_ =	swait.ge [sflag:s24], $0xBD0  }
.Ltmp5:
0xf0: {  	[sflag:s24] =	ssyncset.done $0x0;
	(pc) =	sbr.rel @p0 .LBB2_1-.Ltmp5, $4  }
0xf1: {  	[sflag:s24] =	ssyncadd.s32 $0xFFFFF430  }
0xf2: {  	_ =	swait.ge [sflag:s28], $0xBD0  }
0xf3: {  	[sflag:s28] =	ssyncset.done $0x0  }
0xf4: {  	[sflag:s28] =	ssyncadd.s32 $0xFFFFF430  }
0xf5: {  	_ =	sfence.sel $0x180000  }
0xf6: {  	[bflag:$0x0] =	sbarrier.arrive $0xFFFF  }
0xf7: {  	_ =	strace $0x9000004A  }
0xf8: {  	s0 =	stileid.u32;
	[bflag:$0x2] =	sbarrier.arrive $0xFFFF  }
0xf9: {  	p0 =	sne.s32 s0, $0x0;
	s0 =	rddreg [dreg:$0x4]  }
0xfa: {  	s0 =	sadd.s32 @!p0 $0x100000, s0  }
0xfb: {  	[sflag:s0] =	ssyncadd.tile.s32 @!p0 $0x1;
	_ =	shalt  }
.Lfunc_end2:
_tile_overlayer_lowered:
.L_overlay_start_2:
0xfc: {  	(tag) =	ssettag $0x2  }
0xfd: {  	s0 =	rddreg [dreg:$0x0];
	s2 =	stileid.u32  }
0xfe: {  	s1 =	rddreg [dreg:$0x1];
	p0 =	sne.s32 s2, $0x0  }
0xff: {  	s3 =	rddreg [dreg:$0x2];
	[bflag:$0x3] =	sbarrier.arrive $0xFFFF;
	s2 =	simm.s32 @!p0 $0x1C08  }
0x100: {  	[timem:s3], [sflag:s2] =	dma.local @!p0 [hbm:s0], s1  }
0x101: {  	s0 =	simm.s32 @!p0 $0x8  }
0x102: {  	_ =	swait.ge @!p0 [sflag:s0], s1  }
0x103: {  	s1 =	ssub.s32 @!p0 $0x0, s1;
	[sflag:s0] =	ssyncset.done @!p0 $0x0  }
0x104: {  	[sflag:s0] =	ssyncadd.s32 @!p0 s1  }
0x105: {  	[bflag:$0x3] =	sbarrier.arrive $0xFFFF  }
0x106: {  	_ =	shalt  }

</sc_bundles>
